<compile_context>
chip_gen: v7x
topology: tpu7x:2x2x1
jax: 0.10.2.dev20260603
libtpu: 0.0.44.dev20260713+nightly
codegen_flags: <defaults>
</compile_context>

<pallas_src>
import functools

import jax
import jax.numpy as jnp
from jax import lax
from jax.experimental import pallas as pl
from jax.experimental.pallas import tpu as pltpu
from jax.experimental.pallas import tpu_sc as plsc

N = 10000
E = 320000
D = 128
NC, NS = 2, 16
EPS_ = E // NS
CB = 128
NCH_A = 160
NCH_D = NCH_A // NC
NCH_H = NCH_D // 2
EPS_P = NCH_A * CB
NPAD = 10240
TRASH = N + 16
RPT = NPAD // NS
EPS = 1e-5

_mesh = plsc.VectorSubcoreMesh(core_axis_name="c", subcore_axis_name="s")


@functools.partial(
    pl.kernel,
    out_type=(
        jax.ShapeDtypeStruct((NC, NPAD), jnp.float32),
        jax.ShapeDtypeStruct((NC, NPAD), jnp.float32),
    ),
    mesh=_mesh,
    scratch_types=[
        pltpu.VMEM((NCH_D, CB), jnp.int32),
        pltpu.VMEM((NCH_D, CB), jnp.int32),
        pltpu.VMEM((CB,), jnp.float32),
        pltpu.VMEM_SHARED((NPAD,), jnp.float32),
        pltpu.VMEM_SHARED((NPAD,), jnp.float32),
    ],
)
def _deg_kernel(src_hbm, dst_hbm, zeros_hbm, odeg_hbm, ideg_hbm,
                sidx, didx, ones_v, osh, ish):
    c = lax.axis_index("c")
    s = lax.axis_index("s")
    pltpu.sync_copy(zeros_hbm.at[pl.ds(s * RPT, RPT)], osh.at[pl.ds(s * RPT, RPT)])
    pltpu.sync_copy(zeros_hbm.at[pl.ds(s * RPT, RPT)], ish.at[pl.ds(s * RPT, RPT)])
    pltpu.sync_copy(src_hbm.at[s, pl.ds(c * NCH_D, NCH_D)], sidx)
    pltpu.sync_copy(dst_hbm.at[s, pl.ds(c * NCH_D, NCH_D)], didx)
    for i in range(CB // 16):
        ones_v[pl.ds(i * 16, 16)] = jnp.full((16,), 1.0, jnp.float32)
    plsc.subcore_barrier()

    def body(j, carry):
        pltpu.sync_copy(ones_v, osh.at[sidx.at[j]], add=True)
        pltpu.sync_copy(ones_v, ish.at[didx.at[j]], add=True)
        return carry

    lax.fori_loop(0, NCH_D, body, 0)
    plsc.subcore_barrier()
    pltpu.sync_copy(osh.at[pl.ds(s * RPT, RPT)], odeg_hbm.at[c, pl.ds(s * RPT, RPT)])
    pltpu.sync_copy(ish.at[pl.ds(s * RPT, RPT)], ideg_hbm.at[c, pl.ds(s * RPT, RPT)])


@functools.partial(
    pl.kernel,
    out_type=jax.ShapeDtypeStruct((NC, NPAD, D), jnp.float32),
    mesh=_mesh,
    scratch_types=[
        pltpu.VMEM((NCH_H, CB), jnp.int32),
        pltpu.VMEM((NCH_H, CB), jnp.int32),
        pltpu.VMEM((CB, D), jnp.float32),
        pltpu.VMEM((CB, D), jnp.float32),
        pltpu.VMEM_SHARED((NPAD, D), jnp.float32),
        pltpu.SemaphoreType.DMA,
        pltpu.SemaphoreType.DMA,
    ],
)
def _agg_kernel(src_hbm, dst_hbm, feat_hbm, zeros_hbm, out_hbm,
                sidx, didx, buf_a, buf_b, agg_sh, sem_a, sem_b):
    c = lax.axis_index("c")
    s = lax.axis_index("s")
    pltpu.sync_copy(zeros_hbm.at[pl.ds(s * RPT, RPT)],
                    agg_sh.at[pl.ds(s * RPT, RPT)])
    plsc.subcore_barrier()

    for p in range(2):
        base = c * NCH_D + p * NCH_H
        pltpu.sync_copy(src_hbm.at[s, pl.ds(base, NCH_H)], sidx)
        pltpu.sync_copy(dst_hbm.at[s, pl.ds(base, NCH_H)], didx)
        pltpu.async_copy(feat_hbm.at[sidx.at[0]], buf_a, sem_a)

        def body(g, carry):
            j0 = 2 * g
            pltpu.async_copy(feat_hbm.at[sidx.at[j0 + 1]], buf_b, sem_b)
            pltpu.make_async_copy(feat_hbm.at[sidx.at[j0]], buf_a, sem_a).wait()
            pltpu.sync_copy(buf_a, agg_sh.at[didx.at[j0]], add=True)

            @pl.when(g + 1 < NCH_H // 2)
            def _():
                pltpu.async_copy(feat_hbm.at[sidx.at[j0 + 2]], buf_a, sem_a)

            pltpu.make_async_copy(feat_hbm.at[sidx.at[j0 + 1]], buf_b, sem_b).wait()
            pltpu.sync_copy(buf_b, agg_sh.at[didx.at[j0 + 1]], add=True)
            return carry

        lax.fori_loop(0, NCH_H // 2, body, 0)
    plsc.subcore_barrier()
    pltpu.sync_copy(agg_sh.at[pl.ds(s * RPT, RPT)],
                    out_hbm.at[c, pl.ds(s * RPT, RPT)])


def _scale_body(x_ref, od0_ref, od1_ref, id0_ref, id1_ref, feat_ref, invin_ref):
    odeg = jnp.maximum(od0_ref[...] + od1_ref[...], 1.0)
    ideg = jnp.maximum(id0_ref[...] + id1_ref[...], 1.0)
    feat_ref[0:N, :] = x_ref[...] * lax.rsqrt(odeg)
    feat_ref[N:NPAD, :] = jnp.zeros((NPAD - N, D), jnp.float32)
    invin_ref[...] = lax.rsqrt(ideg)


_scale_call = pl.pallas_call(
    _scale_body,
    out_shape=(
        jax.ShapeDtypeStruct((NPAD, D), jnp.float32),
        jax.ShapeDtypeStruct((N, 1), jnp.float32),
    ),
)


def _final_body(p_ref, invin_ref, x_ref, w_ref, wres_ref, g_ref, b_ref, out_ref):
    agg = (p_ref[0, :N, :] + p_ref[1, :N, :]) * invin_ref[...]
    gX = jnp.maximum(jnp.dot(agg, w_ref[...], preferred_element_type=jnp.float32), 0.0)
    res = jnp.maximum(jnp.dot(x_ref[...], wres_ref[...], preferred_element_type=jnp.float32), 0.0)
    h = gX + res
    mean = jnp.mean(h, axis=0, keepdims=True)
    hm = h - mean
    var = jnp.mean(hm * hm, axis=0, keepdims=True)
    out_ref[...] = hm * lax.rsqrt(var + EPS) * g_ref[...] + b_ref[...]


_final_call = pl.pallas_call(
    _final_body,
    out_shape=jax.ShapeDtypeStruct((N, D), jnp.float32),
)


def kernel(X, edge_index, W, W_res, gamma, beta):
    src = edge_index[0].astype(jnp.int32).reshape(NS, EPS_)
    dst = edge_index[1].astype(jnp.int32).reshape(NS, EPS_)
    pad_pos = jnp.arange(EPS_P - EPS_, dtype=jnp.int32)
    padc = jnp.tile((TRASH + pad_pos % 208)[None, :], (NS, 1))
    src_p = jnp.concatenate([src, padc], axis=1).reshape(NS, NCH_A, CB)
    dst_p = jnp.concatenate([dst, padc], axis=1).reshape(NS, NCH_A, CB)

    z1 = jnp.zeros((NPAD,), jnp.float32)
    odeg_p, ideg_p = _deg_kernel(src_p, dst_p, z1)

    od0 = odeg_p[0, :N].reshape(N, 1)
    od1 = odeg_p[1, :N].reshape(N, 1)
    id0 = ideg_p[0, :N].reshape(N, 1)
    id1 = ideg_p[1, :N].reshape(N, 1)
    feat, inv_in = _scale_call(X, od0, od1, id0, id1)

    z2 = jnp.zeros((NPAD, D), jnp.float32)
    p = _agg_kernel(src_p, dst_p, feat, z2)

    return _final_call(p, inv_in, X, W, W_res,
                       gamma.reshape(1, D), beta.reshape(1, D))

# --- scband reference (transcript-rebuilt; emitter-appended) ---
"""Pipeline reference for scband-graph-conv-layer-88974542504681 (READ-ONLY COPY).

The authoritative reference and input builder live on the scoring server;
editing this copy changes nothing except your own understanding.
"""

import jax, jax.numpy as jnp
import numpy as np

N_NODES = 10000
N_EDGES = 320000
D_IN = 128
D_OUT = 128
EPS = 1e-5


def setup_inputs(seed: int = 0) -> dict:
    key = jax.random.key(seed)
    k1, k2, k3, k4, k5, k6 = jax.random.split(key, 6)
    X = jax.random.normal(k1, (N_NODES, D_IN), dtype=jnp.float32)
    edge_index = jax.random.randint(k2, (2, N_EDGES), 0, N_NODES, dtype=jnp.int64)
    # GraphConv weight (glorot), no bias
    limit = np.sqrt(6.0 / (D_IN + D_OUT))
    W = jax.random.uniform(k3, (D_IN, D_OUT), dtype=jnp.float32, minval=-limit, maxval=limit)
    # residual Linear weight (kaiming-uniform-ish), no bias; stored as (in, out)
    lim2 = np.sqrt(1.0 / D_IN)
    W_res = jax.random.uniform(k4, (D_IN, D_OUT), dtype=jnp.float32, minval=-lim2, maxval=lim2)
    gamma = jnp.ones((D_OUT,), dtype=jnp.float32)
    beta = jnp.zeros((D_OUT,), dtype=jnp.float32)
    return {"X": X, "edge_index": edge_index, "W": W, "W_res": W_res, "gamma": gamma, "beta": beta}


def reference(X, edge_index, W, W_res, gamma, beta):
    src = edge_index[0]
    dst = edge_index[1]
    ones_e = jnp.ones((src.shape[0],), dtype=jnp.float32)
    out_deg = jax.ops.segment_sum(ones_e, src, num_segments=N_NODES)
    in_deg = jax.ops.segment_sum(ones_e, dst, num_segments=N_NODES)
    out_deg = jnp.clip(out_deg, 1.0, None)
    in_deg = jnp.clip(in_deg, 1.0, None)
    # DGL GraphConv with norm='both': scale src feats by out_deg^-1/2,
    # sum-aggregate to dst, scale by in_deg^-1/2, then apply weight
    # (in_feats <= out_feats path: aggregate first, then matmul).
    feat = X * (out_deg ** -0.5)[:, None]
    msgs = jnp.take(feat, src, axis=0)
    agg = jnp.zeros((N_NODES, D_IN), dtype=jnp.float32).at[dst].add(msgs)
    agg = agg * (in_deg ** -0.5)[:, None]
    gX = jax.nn.relu(agg @ W)  # activation applied inside GraphConv
    # residual connection: relu(Linear(X))
    res = jax.nn.relu(X @ W_res)
    h = gX + res
    # dropout p=0.0 is identity
    # BatchNorm1d (training mode: batch statistics)
    mean = jnp.mean(h, axis=0)
    var = jnp.var(h, axis=0)
    out = (h - mean) / jnp.sqrt(var + EPS) * gamma + beta
    return out

if __name__ == "__main__":
    import jax
    _d = setup_inputs()
    print(jax.jit(kernel)(*tuple(_d.values())))

</pallas_src>

<mosaic_0001>
#map = affine_map<(d0, d1) -> (0, 0, 0)>
#map1 = affine_map<(d0, d1) -> (0, 0)>
module attributes {stable_mosaic.version = 14 : i64} {
  func.func @_agg_kernel(%arg0: i32, %arg1: i32, %arg2: memref<16x160x128xi32, #tpu.memory_space<hbm>>, %arg3: memref<16x160x128xi32, #tpu.memory_space<hbm>>, %arg4: memref<10240x128xf32, #tpu.memory_space<hbm>>, %arg5: memref<10240x128xf32, #tpu.memory_space<hbm>>, %arg6: memref<2x10240x128xf32, #tpu.memory_space<hbm>>, %arg7: memref<40x128xi32, #tpu.memory_space<vmem>>, %arg8: memref<40x128xi32, #tpu.memory_space<vmem>>, %arg9: memref<128x128xf32, #tpu.memory_space<vmem>>, %arg10: memref<128x128xf32, #tpu.memory_space<vmem>>, %arg11: memref<10240x128xf32, #tpu.memory_space<vmem_shared>>, %arg12: memref<!tpu.dma_semaphore, #tpu.memory_space<semaphore_mem>>, %arg13: memref<!tpu.dma_semaphore, #tpu.memory_space<semaphore_mem>>) attributes {dimension_semantics = [#tpu.dimension_semantics<core_parallel>, #tpu.dimension_semantics<subcore_parallel>], iteration_bounds = array<i64: 2, 16>, scalar_prefetch = 0 : i64, scratch_operands = 7 : i64, tpu.core_type = #tpu.core_type<sc_vector_subcore>, window_params = [{transform_indices = #map}, {transform_indices = #map}, {transform_indices = #map1}, {transform_indices = #map1}, {transform_indices = #map}]} {
    %mul3A = arith.constant 640 : i32
    %mul3A_0 = arith.muli %arg1, %mul3A : i32
    %mul3A_1 = arith.constant 640 : i32
    %mul3A_2 = arith.muli %arg1, %mul3A_1 : i32
    "tpu.region"() ({
      %run_scoped3A = tpu.sem_alloc : memref<!tpu.dma_semaphore, #tpu.memory_space<semaphore_mem>>
      %dma_start3A_39 = arith.constant 0 : i32
      %dma_start3A_40 = tpu.memref_slice %arg11[%mul3A_2, %dma_start3A_39] : memref<10240x128xf32, #tpu.memory_space<vmem_shared>> -> memref<640x128xf32, #tpu.memory_space<vmem_shared>>
      %dma_start3A_41 = arith.constant 0 : i32
      %dma_start3A_42 = tpu.memref_slice %arg5[%mul3A_0, %dma_start3A_41] : memref<10240x128xf32, #tpu.memory_space<hbm>> -> memref<640x128xf32, #tpu.memory_space<hbm>>
      tpu.enqueue_dma source(%dma_start3A_42 : memref<640x128xf32, #tpu.memory_space<hbm>>) target(%dma_start3A_40 : memref<640x128xf32, #tpu.memory_space<vmem_shared>>) target_semaphore(%run_scoped3A : memref<!tpu.dma_semaphore, #tpu.memory_space<semaphore_mem>>)
      %dma_wait3A = arith.constant 0 : i32
      %dma_wait3A_43 = tpu.memref_slice %arg11[%mul3A_2, %dma_wait3A] : memref<10240x128xf32, #tpu.memory_space<vmem_shared>> -> memref<640x128xf32, #tpu.memory_space<vmem_shared>>
      %dma_wait3A_44 = arith.constant 0 : i32
      %dma_wait3A_45 = tpu.memref_slice %arg5[%mul3A_0, %dma_wait3A_44] : memref<10240x128xf32, #tpu.memory_space<hbm>> -> memref<640x128xf32, #tpu.memory_space<hbm>>
      tpu.wait_dma2 semaphore(%run_scoped3A : memref<!tpu.dma_semaphore, #tpu.memory_space<semaphore_mem>>) src(%dma_wait3A_45 : memref<640x128xf32, #tpu.memory_space<hbm>>) dst(%dma_wait3A_43 : memref<640x128xf32, #tpu.memory_space<vmem_shared>>)
      tpu.yield
    }) : () -> ()
    %barrier3A = arith.constant 0 : index
    tpu.barrier barrier_id(%barrier3A)
    %mul3A_3 = arith.constant 80 : i32
    %mul3A_4 = arith.muli %arg0, %mul3A_3 : i32
    %add3A = arith.constant 0 : i32
    %add3A_5 = arith.addi %mul3A_4, %add3A : i32
    "tpu.region"() ({
      %run_scoped3A = tpu.sem_alloc : memref<!tpu.dma_semaphore, #tpu.memory_space<semaphore_mem>>
      %dma_start3A_39 = arith.constant 0 : i32
      %dma_start3A_40 = tpu.memref_slice %arg2[%arg1, %add3A_5, %dma_start3A_39] : memref<16x160x128xi32, #tpu.memory_space<hbm>> -> memref<1x40x128xi32, #tpu.memory_space<hbm>>
      %dma_start3A_41 = tpu.memref_squeeze %dma_start3A_40 : memref<1x40x128xi32, #tpu.memory_space<hbm>> -> memref<40x128xi32, #tpu.memory_space<hbm>>
      %dma_start3A_42 = arith.constant 0 : i32
      %dma_start3A_43 = tpu.memref_slice %arg2[%arg1, %add3A_5, %dma_start3A_42] : memref<16x160x128xi32, #tpu.memory_space<hbm>> -> memref<1x40x128xi32, #tpu.memory_space<hbm>>
      %dma_start3A_44 = tpu.memref_squeeze %dma_start3A_43 : memref<1x40x128xi32, #tpu.memory_space<hbm>> -> memref<40x128xi32, #tpu.memory_space<hbm>>
      tpu.enqueue_dma source(%dma_start3A_44 : memref<40x128xi32, #tpu.memory_space<hbm>>) target(%arg7 : memref<40x128xi32, #tpu.memory_space<vmem>>) target_semaphore(%run_scoped3A : memref<!tpu.dma_semaphore, #tpu.memory_space<semaphore_mem>>)
      %dma_wait3A = arith.constant 0 : i32
      %dma_wait3A_45 = tpu.memref_slice %arg2[%arg1, %add3A_5, %dma_wait3A] : memref<16x160x128xi32, #tpu.memory_space<hbm>> -> memref<1x40x128xi32, #tpu.memory_space<hbm>>
      %dma_wait3A_46 = tpu.memref_squeeze %dma_wait3A_45 : memref<1x40x128xi32, #tpu.memory_space<hbm>> -> memref<40x128xi32, #tpu.memory_space<hbm>>
      %dma_wait3A_47 = arith.constant 0 : i32
      %dma_wait3A_48 = tpu.memref_slice %arg2[%arg1, %add3A_5, %dma_wait3A_47] : memref<16x160x128xi32, #tpu.memory_space<hbm>> -> memref<1x40x128xi32, #tpu.memory_space<hbm>>
      %dma_wait3A_49 = tpu.memref_squeeze %dma_wait3A_48 : memref<1x40x128xi32, #tpu.memory_space<hbm>> -> memref<40x128xi32, #tpu.memory_space<hbm>>
      tpu.wait_dma2 semaphore(%run_scoped3A : memref<!tpu.dma_semaphore, #tpu.memory_space<semaphore_mem>>) src(%dma_wait3A_49 : memref<40x128xi32, #tpu.memory_space<hbm>>) dst(%arg7 : memref<40x128xi32, #tpu.memory_space<vmem>>)
      tpu.yield
    }) : () -> ()
    "tpu.region"() ({
      %run_scoped3A = tpu.sem_alloc : memref<!tpu.dma_semaphore, #tpu.memory_space<semaphore_mem>>
      %dma_start3A_39 = arith.constant 0 : i32
      %dma_start3A_40 = tpu.memref_slice %arg3[%arg1, %add3A_5, %dma_start3A_39] : memref<16x160x128xi32, #tpu.memory_space<hbm>> -> memref<1x40x128xi32, #tpu.memory_space<hbm>>
      %dma_start3A_41 = tpu.memref_squeeze %dma_start3A_40 : memref<1x40x128xi32, #tpu.memory_space<hbm>> -> memref<40x128xi32, #tpu.memory_space<hbm>>
      %dma_start3A_42 = arith.constant 0 : i32
      %dma_start3A_43 = tpu.memref_slice %arg3[%arg1, %add3A_5, %dma_start3A_42] : memref<16x160x128xi32, #tpu.memory_space<hbm>> -> memref<1x40x128xi32, #tpu.memory_space<hbm>>
      %dma_start3A_44 = tpu.memref_squeeze %dma_start3A_43 : memref<1x40x128xi32, #tpu.memory_space<hbm>> -> memref<40x128xi32, #tpu.memory_space<hbm>>
      tpu.enqueue_dma source(%dma_start3A_44 : memref<40x128xi32, #tpu.memory_space<hbm>>) target(%arg8 : memref<40x128xi32, #tpu.memory_space<vmem>>) target_semaphore(%run_scoped3A : memref<!tpu.dma_semaphore, #tpu.memory_space<semaphore_mem>>)
      %dma_wait3A = arith.constant 0 : i32
      %dma_wait3A_45 = tpu.memref_slice %arg3[%arg1, %add3A_5, %dma_wait3A] : memref<16x160x128xi32, #tpu.memory_space<hbm>> -> memref<1x40x128xi32, #tpu.memory_space<hbm>>
      %dma_wait3A_46 = tpu.memref_squeeze %dma_wait3A_45 : memref<1x40x128xi32, #tpu.memory_space<hbm>> -> memref<40x128xi32, #tpu.memory_space<hbm>>
      %dma_wait3A_47 = arith.constant 0 : i32
      %dma_wait3A_48 = tpu.memref_slice %arg3[%arg1, %add3A_5, %dma_wait3A_47] : memref<16x160x128xi32, #tpu.memory_space<hbm>> -> memref<1x40x128xi32, #tpu.memory_space<hbm>>
      %dma_wait3A_49 = tpu.memref_squeeze %dma_wait3A_48 : memref<1x40x128xi32, #tpu.memory_space<hbm>> -> memref<40x128xi32, #tpu.memory_space<hbm>>
      tpu.wait_dma2 semaphore(%run_scoped3A : memref<!tpu.dma_semaphore, #tpu.memory_space<semaphore_mem>>) src(%dma_wait3A_49 : memref<40x128xi32, #tpu.memory_space<hbm>>) dst(%arg8 : memref<40x128xi32, #tpu.memory_space<vmem>>)
      tpu.yield
    }) : () -> ()
    %dma_start3A = arith.constant 0 : i32
    %dma_start3A_6 = arith.constant 0 : i32
    %dma_start3A_7 = tpu.memref_slice %arg7[%dma_start3A, %dma_start3A_6] : memref<40x128xi32, #tpu.memory_space<vmem>> -> memref<1x128xi32, #tpu.memory_space<vmem>>
    %dma_start3A_8 = tpu.memref_squeeze %dma_start3A_7 : memref<1x128xi32, #tpu.memory_space<vmem>> -> memref<128xi32, #tpu.memory_space<vmem>>
    %dma_start3A_9 = arith.constant 0 : i32
    %dma_start3A_10 = arith.constant 0 : i32
    %dma_start3A_11 = tpu.memref_slice %arg4[%dma_start3A_9, %dma_start3A_10] : memref<10240x128xf32, #tpu.memory_space<hbm>> -> memref<10240x128xf32, #tpu.memory_space<hbm>>
    tpu.enqueue_indirect_dma source(%dma_start3A_11 : memref<10240x128xf32, #tpu.memory_space<hbm>>) target(%arg9 : memref<128x128xf32, #tpu.memory_space<vmem>>) offsets(%dma_start3A_8 : memref<128xi32, #tpu.memory_space<vmem>>) semaphore(%arg12 : memref<!tpu.dma_semaphore, #tpu.memory_space<semaphore_mem>>)
    %scan3A = arith.constant 0 : i32
    %scan3A_12 = arith.constant 0 : i32
    %scan3A_13 = arith.constant 20 : i32
    %scan3A_14 = arith.addi %scan3A_12, %scan3A_13 : i32
    %scan3A_15 = arith.constant 1 : i32
    scf.for %scan3A_39 = %scan3A_12 to %scan3A_14 step %scan3A_15  : i32 {
      %mul3A_40 = arith.constant 2 : i32
      %mul3A_41 = arith.muli %mul3A_40, %scan3A_39 : i32
      %add3A_42 = arith.constant 1 : i32
      %add3A_43 = arith.addi %mul3A_41, %add3A_42 : i32
      %dma_start3A_44 = arith.constant 0 : i32
      %dma_start3A_45 = tpu.memref_slice %arg7[%add3A_43, %dma_start3A_44] : memref<40x128xi32, #tpu.memory_space<vmem>> -> memref<1x128xi32, #tpu.memory_space<vmem>>
      %dma_start3A_46 = tpu.memref_squeeze %dma_start3A_45 : memref<1x128xi32, #tpu.memory_space<vmem>> -> memref<128xi32, #tpu.memory_space<vmem>>
      %dma_start3A_47 = arith.constant 0 : i32
      %dma_start3A_48 = arith.constant 0 : i32
      %dma_start3A_49 = tpu.memref_slice %arg4[%dma_start3A_47, %dma_start3A_48] : memref<10240x128xf32, #tpu.memory_space<hbm>> -> memref<10240x128xf32, #tpu.memory_space<hbm>>
      tpu.enqueue_indirect_dma source(%dma_start3A_49 : memref<10240x128xf32, #tpu.memory_space<hbm>>) target(%arg10 : memref<128x128xf32, #tpu.memory_space<vmem>>) offsets(%dma_start3A_46 : memref<128xi32, #tpu.memory_space<vmem>>) semaphore(%arg13 : memref<!tpu.dma_semaphore, #tpu.memory_space<semaphore_mem>>)
      %dma_wait3A = arith.constant 0 : i32
      %dma_wait3A_50 = tpu.memref_slice %arg7[%mul3A_41, %dma_wait3A] : memref<40x128xi32, #tpu.memory_space<vmem>> -> memref<1x128xi32, #tpu.memory_space<vmem>>
      %dma_wait3A_51 = tpu.memref_squeeze %dma_wait3A_50 : memref<1x128xi32, #tpu.memory_space<vmem>> -> memref<128xi32, #tpu.memory_space<vmem>>
      %dma_wait3A_52 = arith.constant 0 : i32
      %dma_wait3A_53 = arith.constant 0 : i32
      %dma_wait3A_54 = tpu.memref_slice %arg4[%dma_wait3A_52, %dma_wait3A_53] : memref<10240x128xf32, #tpu.memory_space<hbm>> -> memref<10240x128xf32, #tpu.memory_space<hbm>>
      tpu.wait_indirect_dma semaphore(%arg12 : memref<!tpu.dma_semaphore, #tpu.memory_space<semaphore_mem>>) src(%dma_wait3A_54 : memref<10240x128xf32, #tpu.memory_space<hbm>>) dst(%arg9 : memref<128x128xf32, #tpu.memory_space<vmem>>)
      "tpu.region"() ({
        %run_scoped3A = tpu.sem_alloc : memref<!tpu.dma_semaphore, #tpu.memory_space<semaphore_mem>>
        %dma_start3A_69 = arith.constant 0 : i32
        %dma_start3A_70 = tpu.memref_slice %arg8[%mul3A_41, %dma_start3A_69] : memref<40x128xi32, #tpu.memory_space<vmem>> -> memref<1x128xi32, #tpu.memory_space<vmem>>
        %dma_start3A_71 = tpu.memref_squeeze %dma_start3A_70 : memref<1x128xi32, #tpu.memory_space<vmem>> -> memref<128xi32, #tpu.memory_space<vmem>>
        %dma_start3A_72 = arith.constant 0 : i32
        %dma_start3A_73 = arith.constant 0 : i32
        %dma_start3A_74 = tpu.memref_slice %arg11[%dma_start3A_72, %dma_start3A_73] : memref<10240x128xf32, #tpu.memory_space<vmem_shared>> -> memref<10240x128xf32, #tpu.memory_space<vmem_shared>>
        tpu.enqueue_indirect_dma source(%arg9 : memref<128x128xf32, #tpu.memory_space<vmem>>) target(%dma_start3A_74 : memref<10240x128xf32, #tpu.memory_space<vmem_shared>>) offsets(%dma_start3A_71 : memref<128xi32, #tpu.memory_space<vmem>>) semaphore(%run_scoped3A : memref<!tpu.dma_semaphore, #tpu.memory_space<semaphore_mem>>) {add = true}
        %dma_wait3A_75 = arith.constant 0 : i32
        %dma_wait3A_76 = tpu.memref_slice %arg8[%mul3A_41, %dma_wait3A_75] : memref<40x128xi32, #tpu.memory_space<vmem>> -> memref<1x128xi32, #tpu.memory_space<vmem>>
        %dma_wait3A_77 = tpu.memref_squeeze %dma_wait3A_76 : memref<1x128xi32, #tpu.memory_space<vmem>> -> memref<128xi32, #tpu.memory_space<vmem>>
        %dma_wait3A_78 = arith.constant 0 : i32
        %dma_wait3A_79 = arith.constant 0 : i32
        %dma_wait3A_80 = tpu.memref_slice %arg11[%dma_wait3A_78, %dma_wait3A_79] : memref<10240x128xf32, #tpu.memory_space<vmem_shared>> -> memref<10240x128xf32, #tpu.memory_space<vmem_shared>>
        tpu.wait_indirect_dma semaphore(%run_scoped3A : memref<!tpu.dma_semaphore, #tpu.memory_space<semaphore_mem>>) src(%arg9 : memref<128x128xf32, #tpu.memory_space<vmem>>) dst(%dma_wait3A_80 : memref<10240x128xf32, #tpu.memory_space<vmem_shared>>)
        tpu.yield
      }) : () -> ()
      %add3A_55 = arith.constant 1 : i32
      %add3A_56 = arith.addi %scan3A_39, %add3A_55 : i32
      %lt3A = arith.constant 20 : i32
      %lt3A_57 = arith.cmpi slt, %add3A_56, %lt3A : i32
      %convert_element_type3A = arith.extui %lt3A_57 : i1 to i32
      %cond3A = arith.constant 0 : i32
      %cond3A_58 = arith.cmpi ne, %convert_element_type3A, %cond3A : i32
      scf.if %cond3A_58 {
        %add3A_69 = arith.constant 2 : i32
        %add3A_70 = arith.addi %mul3A_41, %add3A_69 : i32
        %dma_start3A_71 = arith.constant 0 : i32
        %dma_start3A_72 = tpu.memref_slice %arg7[%add3A_70, %dma_start3A_71] : memref<40x128xi32, #tpu.memory_space<vmem>> -> memref<1x128xi32, #tpu.memory_space<vmem>>
        %dma_start3A_73 = tpu.memref_squeeze %dma_start3A_72 : memref<1x128xi32, #tpu.memory_space<vmem>> -> memref<128xi32, #tpu.memory_space<vmem>>
        %dma_start3A_74 = arith.constant 0 : i32
        %dma_start3A_75 = arith.constant 0 : i32
        %dma_start3A_76 = tpu.memref_slice %arg4[%dma_start3A_74, %dma_start3A_75] : memref<10240x128xf32, #tpu.memory_space<hbm>> -> memref<10240x128xf32, #tpu.memory_space<hbm>>
        tpu.enqueue_indirect_dma source(%dma_start3A_76 : memref<10240x128xf32, #tpu.memory_space<hbm>>) target(%arg9 : memref<128x128xf32, #tpu.memory_space<vmem>>) offsets(%dma_start3A_73 : memref<128xi32, #tpu.memory_space<vmem>>) semaphore(%arg12 : memref<!tpu.dma_semaphore, #tpu.memory_space<semaphore_mem>>)
      } else {
      }
      %add3A_59 = arith.constant 1 : i32
      %add3A_60 = arith.addi %mul3A_41, %add3A_59 : i32
      %dma_wait3A_61 = arith.constant 0 : i32
      %dma_wait3A_62 = tpu.memref_slice %arg7[%add3A_60, %dma_wait3A_61] : memref<40x128xi32, #tpu.memory_space<vmem>> -> memref<1x128xi32, #tpu.memory_space<vmem>>
      %dma_wait3A_63 = tpu.memref_squeeze %dma_wait3A_62 : memref<1x128xi32, #tpu.memory_space<vmem>> -> memref<128xi32, #tpu.memory_space<vmem>>
      %dma_wait3A_64 = arith.constant 0 : i32
      %dma_wait3A_65 = arith.constant 0 : i32
      %dma_wait3A_66 = tpu.memref_slice %arg4[%dma_wait3A_64, %dma_wait3A_65] : memref<10240x128xf32, #tpu.memory_space<hbm>> -> memref<10240x128xf32, #tpu.memory_space<hbm>>
      tpu.wait_indirect_dma semaphore(%arg13 : memref<!tpu.dma_semaphore, #tpu.memory_space<semaphore_mem>>) src(%dma_wait3A_66 : memref<10240x128xf32, #tpu.memory_space<hbm>>) dst(%arg10 : memref<128x128xf32, #tpu.memory_space<vmem>>)
      %add3A_67 = arith.constant 1 : i32
      %add3A_68 = arith.addi %mul3A_41, %add3A_67 : i32
      "tpu.region"() ({
        %run_scoped3A = tpu.sem_alloc : memref<!tpu.dma_semaphore, #tpu.memory_space<semaphore_mem>>
        %dma_start3A_69 = arith.constant 0 : i32
        %dma_start3A_70 = tpu.memref_slice %arg8[%add3A_68, %dma_start3A_69] : memref<40x128xi32, #tpu.memory_space<vmem>> -> memref<1x128xi32, #tpu.memory_space<vmem>>
        %dma_start3A_71 = tpu.memref_squeeze %dma_start3A_70 : memref<1x128xi32, #tpu.memory_space<vmem>> -> memref<128xi32, #tpu.memory_space<vmem>>
        %dma_start3A_72 = arith.constant 0 : i32
        %dma_start3A_73 = arith.constant 0 : i32
        %dma_start3A_74 = tpu.memref_slice %arg11[%dma_start3A_72, %dma_start3A_73] : memref<10240x128xf32, #tpu.memory_space<vmem_shared>> -> memref<10240x128xf32, #tpu.memory_space<vmem_shared>>
        tpu.enqueue_indirect_dma source(%arg10 : memref<128x128xf32, #tpu.memory_space<vmem>>) target(%dma_start3A_74 : memref<10240x128xf32, #tpu.memory_space<vmem_shared>>) offsets(%dma_start3A_71 : memref<128xi32, #tpu.memory_space<vmem>>) semaphore(%run_scoped3A : memref<!tpu.dma_semaphore, #tpu.memory_space<semaphore_mem>>) {add = true}
        %dma_wait3A_75 = arith.constant 0 : i32
        %dma_wait3A_76 = tpu.memref_slice %arg8[%add3A_68, %dma_wait3A_75] : memref<40x128xi32, #tpu.memory_space<vmem>> -> memref<1x128xi32, #tpu.memory_space<vmem>>
        %dma_wait3A_77 = tpu.memref_squeeze %dma_wait3A_76 : memref<1x128xi32, #tpu.memory_space<vmem>> -> memref<128xi32, #tpu.memory_space<vmem>>
        %dma_wait3A_78 = arith.constant 0 : i32
        %dma_wait3A_79 = arith.constant 0 : i32
        %dma_wait3A_80 = tpu.memref_slice %arg11[%dma_wait3A_78, %dma_wait3A_79] : memref<10240x128xf32, #tpu.memory_space<vmem_shared>> -> memref<10240x128xf32, #tpu.memory_space<vmem_shared>>
        tpu.wait_indirect_dma semaphore(%run_scoped3A : memref<!tpu.dma_semaphore, #tpu.memory_space<semaphore_mem>>) src(%arg10 : memref<128x128xf32, #tpu.memory_space<vmem>>) dst(%dma_wait3A_80 : memref<10240x128xf32, #tpu.memory_space<vmem_shared>>)
        tpu.yield
      }) : () -> ()
    }
    %scan3A_16 = arith.constant 20 : i32
    %mul3A_17 = arith.constant 80 : i32
    %mul3A_18 = arith.muli %arg0, %mul3A_17 : i32
    %add3A_19 = arith.constant 40 : i32
    %add3A_20 = arith.addi %mul3A_18, %add3A_19 : i32
    "tpu.region"() ({
      %run_scoped3A = tpu.sem_alloc : memref<!tpu.dma_semaphore, #tpu.memory_space<semaphore_mem>>
      %dma_start3A_39 = arith.constant 0 : i32
      %dma_start3A_40 = tpu.memref_slice %arg2[%arg1, %add3A_20, %dma_start3A_39] : memref<16x160x128xi32, #tpu.memory_space<hbm>> -> memref<1x40x128xi32, #tpu.memory_space<hbm>>
      %dma_start3A_41 = tpu.memref_squeeze %dma_start3A_40 : memref<1x40x128xi32, #tpu.memory_space<hbm>> -> memref<40x128xi32, #tpu.memory_space<hbm>>
      %dma_start3A_42 = arith.constant 0 : i32
      %dma_start3A_43 = tpu.memref_slice %arg2[%arg1, %add3A_20, %dma_start3A_42] : memref<16x160x128xi32, #tpu.memory_space<hbm>> -> memref<1x40x128xi32, #tpu.memory_space<hbm>>
      %dma_start3A_44 = tpu.memref_squeeze %dma_start3A_43 : memref<1x40x128xi32, #tpu.memory_space<hbm>> -> memref<40x128xi32, #tpu.memory_space<hbm>>
      tpu.enqueue_dma source(%dma_start3A_44 : memref<40x128xi32, #tpu.memory_space<hbm>>) target(%arg7 : memref<40x128xi32, #tpu.memory_space<vmem>>) target_semaphore(%run_scoped3A : memref<!tpu.dma_semaphore, #tpu.memory_space<semaphore_mem>>)
      %dma_wait3A = arith.constant 0 : i32
      %dma_wait3A_45 = tpu.memref_slice %arg2[%arg1, %add3A_20, %dma_wait3A] : memref<16x160x128xi32, #tpu.memory_space<hbm>> -> memref<1x40x128xi32, #tpu.memory_space<hbm>>
      %dma_wait3A_46 = tpu.memref_squeeze %dma_wait3A_45 : memref<1x40x128xi32, #tpu.memory_space<hbm>> -> memref<40x128xi32, #tpu.memory_space<hbm>>
      %dma_wait3A_47 = arith.constant 0 : i32
      %dma_wait3A_48 = tpu.memref_slice %arg2[%arg1, %add3A_20, %dma_wait3A_47] : memref<16x160x128xi32, #tpu.memory_space<hbm>> -> memref<1x40x128xi32, #tpu.memory_space<hbm>>
      %dma_wait3A_49 = tpu.memref_squeeze %dma_wait3A_48 : memref<1x40x128xi32, #tpu.memory_space<hbm>> -> memref<40x128xi32, #tpu.memory_space<hbm>>
      tpu.wait_dma2 semaphore(%run_scoped3A : memref<!tpu.dma_semaphore, #tpu.memory_space<semaphore_mem>>) src(%dma_wait3A_49 : memref<40x128xi32, #tpu.memory_space<hbm>>) dst(%arg7 : memref<40x128xi32, #tpu.memory_space<vmem>>)
      tpu.yield
    }) : () -> ()
    "tpu.region"() ({
      %run_scoped3A = tpu.sem_alloc : memref<!tpu.dma_semaphore, #tpu.memory_space<semaphore_mem>>
      %dma_start3A_39 = arith.constant 0 : i32
      %dma_start3A_40 = tpu.memref_slice %arg3[%arg1, %add3A_20, %dma_start3A_39] : memref<16x160x128xi32, #tpu.memory_space<hbm>> -> memref<1x40x128xi32, #tpu.memory_space<hbm>>
      %dma_start3A_41 = tpu.memref_squeeze %dma_start3A_40 : memref<1x40x128xi32, #tpu.memory_space<hbm>> -> memref<40x128xi32, #tpu.memory_space<hbm>>
      %dma_start3A_42 = arith.constant 0 : i32
      %dma_start3A_43 = tpu.memref_slice %arg3[%arg1, %add3A_20, %dma_start3A_42] : memref<16x160x128xi32, #tpu.memory_space<hbm>> -> memref<1x40x128xi32, #tpu.memory_space<hbm>>
      %dma_start3A_44 = tpu.memref_squeeze %dma_start3A_43 : memref<1x40x128xi32, #tpu.memory_space<hbm>> -> memref<40x128xi32, #tpu.memory_space<hbm>>
      tpu.enqueue_dma source(%dma_start3A_44 : memref<40x128xi32, #tpu.memory_space<hbm>>) target(%arg8 : memref<40x128xi32, #tpu.memory_space<vmem>>) target_semaphore(%run_scoped3A : memref<!tpu.dma_semaphore, #tpu.memory_space<semaphore_mem>>)
      %dma_wait3A = arith.constant 0 : i32
      %dma_wait3A_45 = tpu.memref_slice %arg3[%arg1, %add3A_20, %dma_wait3A] : memref<16x160x128xi32, #tpu.memory_space<hbm>> -> memref<1x40x128xi32, #tpu.memory_space<hbm>>
      %dma_wait3A_46 = tpu.memref_squeeze %dma_wait3A_45 : memref<1x40x128xi32, #tpu.memory_space<hbm>> -> memref<40x128xi32, #tpu.memory_space<hbm>>
      %dma_wait3A_47 = arith.constant 0 : i32
      %dma_wait3A_48 = tpu.memref_slice %arg3[%arg1, %add3A_20, %dma_wait3A_47] : memref<16x160x128xi32, #tpu.memory_space<hbm>> -> memref<1x40x128xi32, #tpu.memory_space<hbm>>
      %dma_wait3A_49 = tpu.memref_squeeze %dma_wait3A_48 : memref<1x40x128xi32, #tpu.memory_space<hbm>> -> memref<40x128xi32, #tpu.memory_space<hbm>>
      tpu.wait_dma2 semaphore(%run_scoped3A : memref<!tpu.dma_semaphore, #tpu.memory_space<semaphore_mem>>) src(%dma_wait3A_49 : memref<40x128xi32, #tpu.memory_space<hbm>>) dst(%arg8 : memref<40x128xi32, #tpu.memory_space<vmem>>)
      tpu.yield
    }) : () -> ()
    %dma_start3A_21 = arith.constant 0 : i32
    %dma_start3A_22 = arith.constant 0 : i32
    %dma_start3A_23 = tpu.memref_slice %arg7[%dma_start3A_21, %dma_start3A_22] : memref<40x128xi32, #tpu.memory_space<vmem>> -> memref<1x128xi32, #tpu.memory_space<vmem>>
    %dma_start3A_24 = tpu.memref_squeeze %dma_start3A_23 : memref<1x128xi32, #tpu.memory_space<vmem>> -> memref<128xi32, #tpu.memory_space<vmem>>
    %dma_start3A_25 = arith.constant 0 : i32
    %dma_start3A_26 = arith.constant 0 : i32
    %dma_start3A_27 = tpu.memref_slice %arg4[%dma_start3A_25, %dma_start3A_26] : memref<10240x128xf32, #tpu.memory_space<hbm>> -> memref<10240x128xf32, #tpu.memory_space<hbm>>
    tpu.enqueue_indirect_dma source(%dma_start3A_27 : memref<10240x128xf32, #tpu.memory_space<hbm>>) target(%arg9 : memref<128x128xf32, #tpu.memory_space<vmem>>) offsets(%dma_start3A_24 : memref<128xi32, #tpu.memory_space<vmem>>) semaphore(%arg12 : memref<!tpu.dma_semaphore, #tpu.memory_space<semaphore_mem>>)
    %scan3A_28 = arith.constant 0 : i32
    %scan3A_29 = arith.constant 0 : i32
    %scan3A_30 = arith.constant 20 : i32
    %scan3A_31 = arith.addi %scan3A_29, %scan3A_30 : i32
    %scan3A_32 = arith.constant 1 : i32
    scf.for %scan3A_39 = %scan3A_29 to %scan3A_31 step %scan3A_32  : i32 {
      %mul3A_40 = arith.constant 2 : i32
      %mul3A_41 = arith.muli %mul3A_40, %scan3A_39 : i32
      %add3A_42 = arith.constant 1 : i32
      %add3A_43 = arith.addi %mul3A_41, %add3A_42 : i32
      %dma_start3A_44 = arith.constant 0 : i32
      %dma_start3A_45 = tpu.memref_slice %arg7[%add3A_43, %dma_start3A_44] : memref<40x128xi32, #tpu.memory_space<vmem>> -> memref<1x128xi32, #tpu.memory_space<vmem>>
      %dma_start3A_46 = tpu.memref_squeeze %dma_start3A_45 : memref<1x128xi32, #tpu.memory_space<vmem>> -> memref<128xi32, #tpu.memory_space<vmem>>
      %dma_start3A_47 = arith.constant 0 : i32
      %dma_start3A_48 = arith.constant 0 : i32
      %dma_start3A_49 = tpu.memref_slice %arg4[%dma_start3A_47, %dma_start3A_48] : memref<10240x128xf32, #tpu.memory_space<hbm>> -> memref<10240x128xf32, #tpu.memory_space<hbm>>
      tpu.enqueue_indirect_dma source(%dma_start3A_49 : memref<10240x128xf32, #tpu.memory_space<hbm>>) target(%arg10 : memref<128x128xf32, #tpu.memory_space<vmem>>) offsets(%dma_start3A_46 : memref<128xi32, #tpu.memory_space<vmem>>) semaphore(%arg13 : memref<!tpu.dma_semaphore, #tpu.memory_space<semaphore_mem>>)
      %dma_wait3A = arith.constant 0 : i32
      %dma_wait3A_50 = tpu.memref_slice %arg7[%mul3A_41, %dma_wait3A] : memref<40x128xi32, #tpu.memory_space<vmem>> -> memref<1x128xi32, #tpu.memory_space<vmem>>
      %dma_wait3A_51 = tpu.memref_squeeze %dma_wait3A_50 : memref<1x128xi32, #tpu.memory_space<vmem>> -> memref<128xi32, #tpu.memory_space<vmem>>
      %dma_wait3A_52 = arith.constant 0 : i32
      %dma_wait3A_53 = arith.constant 0 : i32
      %dma_wait3A_54 = tpu.memref_slice %arg4[%dma_wait3A_52, %dma_wait3A_53] : memref<10240x128xf32, #tpu.memory_space<hbm>> -> memref<10240x128xf32, #tpu.memory_space<hbm>>
      tpu.wait_indirect_dma semaphore(%arg12 : memref<!tpu.dma_semaphore, #tpu.memory_space<semaphore_mem>>) src(%dma_wait3A_54 : memref<10240x128xf32, #tpu.memory_space<hbm>>) dst(%arg9 : memref<128x128xf32, #tpu.memory_space<vmem>>)
      "tpu.region"() ({
        %run_scoped3A = tpu.sem_alloc : memref<!tpu.dma_semaphore, #tpu.memory_space<semaphore_mem>>
        %dma_start3A_69 = arith.constant 0 : i32
        %dma_start3A_70 = tpu.memref_slice %arg8[%mul3A_41, %dma_start3A_69] : memref<40x128xi32, #tpu.memory_space<vmem>> -> memref<1x128xi32, #tpu.memory_space<vmem>>
        %dma_start3A_71 = tpu.memref_squeeze %dma_start3A_70 : memref<1x128xi32, #tpu.memory_space<vmem>> -> memref<128xi32, #tpu.memory_space<vmem>>
        %dma_start3A_72 = arith.constant 0 : i32
        %dma_start3A_73 = arith.constant 0 : i32
        %dma_start3A_74 = tpu.memref_slice %arg11[%dma_start3A_72, %dma_start3A_73] : memref<10240x128xf32, #tpu.memory_space<vmem_shared>> -> memref<10240x128xf32, #tpu.memory_space<vmem_shared>>
        tpu.enqueue_indirect_dma source(%arg9 : memref<128x128xf32, #tpu.memory_space<vmem>>) target(%dma_start3A_74 : memref<10240x128xf32, #tpu.memory_space<vmem_shared>>) offsets(%dma_start3A_71 : memref<128xi32, #tpu.memory_space<vmem>>) semaphore(%run_scoped3A : memref<!tpu.dma_semaphore, #tpu.memory_space<semaphore_mem>>) {add = true}
        %dma_wait3A_75 = arith.constant 0 : i32
        %dma_wait3A_76 = tpu.memref_slice %arg8[%mul3A_41, %dma_wait3A_75] : memref<40x128xi32, #tpu.memory_space<vmem>> -> memref<1x128xi32, #tpu.memory_space<vmem>>
        %dma_wait3A_77 = tpu.memref_squeeze %dma_wait3A_76 : memref<1x128xi32, #tpu.memory_space<vmem>> -> memref<128xi32, #tpu.memory_space<vmem>>
        %dma_wait3A_78 = arith.constant 0 : i32
        %dma_wait3A_79 = arith.constant 0 : i32
        %dma_wait3A_80 = tpu.memref_slice %arg11[%dma_wait3A_78, %dma_wait3A_79] : memref<10240x128xf32, #tpu.memory_space<vmem_shared>> -> memref<10240x128xf32, #tpu.memory_space<vmem_shared>>
        tpu.wait_indirect_dma semaphore(%run_scoped3A : memref<!tpu.dma_semaphore, #tpu.memory_space<semaphore_mem>>) src(%arg9 : memref<128x128xf32, #tpu.memory_space<vmem>>) dst(%dma_wait3A_80 : memref<10240x128xf32, #tpu.memory_space<vmem_shared>>)
        tpu.yield
      }) : () -> ()
      %add3A_55 = arith.constant 1 : i32
      %add3A_56 = arith.addi %scan3A_39, %add3A_55 : i32
      %lt3A = arith.constant 20 : i32
      %lt3A_57 = arith.cmpi slt, %add3A_56, %lt3A : i32
      %convert_element_type3A = arith.extui %lt3A_57 : i1 to i32
      %cond3A = arith.constant 0 : i32
      %cond3A_58 = arith.cmpi ne, %convert_element_type3A, %cond3A : i32
      scf.if %cond3A_58 {
        %add3A_69 = arith.constant 2 : i32
        %add3A_70 = arith.addi %mul3A_41, %add3A_69 : i32
        %dma_start3A_71 = arith.constant 0 : i32
        %dma_start3A_72 = tpu.memref_slice %arg7[%add3A_70, %dma_start3A_71] : memref<40x128xi32, #tpu.memory_space<vmem>> -> memref<1x128xi32, #tpu.memory_space<vmem>>
        %dma_start3A_73 = tpu.memref_squeeze %dma_start3A_72 : memref<1x128xi32, #tpu.memory_space<vmem>> -> memref<128xi32, #tpu.memory_space<vmem>>
        %dma_start3A_74 = arith.constant 0 : i32
        %dma_start3A_75 = arith.constant 0 : i32
        %dma_start3A_76 = tpu.memref_slice %arg4[%dma_start3A_74, %dma_start3A_75] : memref<10240x128xf32, #tpu.memory_space<hbm>> -> memref<10240x128xf32, #tpu.memory_space<hbm>>
        tpu.enqueue_indirect_dma source(%dma_start3A_76 : memref<10240x128xf32, #tpu.memory_space<hbm>>) target(%arg9 : memref<128x128xf32, #tpu.memory_space<vmem>>) offsets(%dma_start3A_73 : memref<128xi32, #tpu.memory_space<vmem>>) semaphore(%arg12 : memref<!tpu.dma_semaphore, #tpu.memory_space<semaphore_mem>>)
      } else {
      }
      %add3A_59 = arith.constant 1 : i32
      %add3A_60 = arith.addi %mul3A_41, %add3A_59 : i32
      %dma_wait3A_61 = arith.constant 0 : i32
      %dma_wait3A_62 = tpu.memref_slice %arg7[%add3A_60, %dma_wait3A_61] : memref<40x128xi32, #tpu.memory_space<vmem>> -> memref<1x128xi32, #tpu.memory_space<vmem>>
      %dma_wait3A_63 = tpu.memref_squeeze %dma_wait3A_62 : memref<1x128xi32, #tpu.memory_space<vmem>> -> memref<128xi32, #tpu.memory_space<vmem>>
      %dma_wait3A_64 = arith.constant 0 : i32
      %dma_wait3A_65 = arith.constant 0 : i32
      %dma_wait3A_66 = tpu.memref_slice %arg4[%dma_wait3A_64, %dma_wait3A_65] : memref<10240x128xf32, #tpu.memory_space<hbm>> -> memref<10240x128xf32, #tpu.memory_space<hbm>>
      tpu.wait_indirect_dma semaphore(%arg13 : memref<!tpu.dma_semaphore, #tpu.memory_space<semaphore_mem>>) src(%dma_wait3A_66 : memref<10240x128xf32, #tpu.memory_space<hbm>>) dst(%arg10 : memref<128x128xf32, #tpu.memory_space<vmem>>)
      %add3A_67 = arith.constant 1 : i32
      %add3A_68 = arith.addi %mul3A_41, %add3A_67 : i32
      "tpu.region"() ({
        %run_scoped3A = tpu.sem_alloc : memref<!tpu.dma_semaphore, #tpu.memory_space<semaphore_mem>>
        %dma_start3A_69 = arith.constant 0 : i32
        %dma_start3A_70 = tpu.memref_slice %arg8[%add3A_68, %dma_start3A_69] : memref<40x128xi32, #tpu.memory_space<vmem>> -> memref<1x128xi32, #tpu.memory_space<vmem>>
        %dma_start3A_71 = tpu.memref_squeeze %dma_start3A_70 : memref<1x128xi32, #tpu.memory_space<vmem>> -> memref<128xi32, #tpu.memory_space<vmem>>
        %dma_start3A_72 = arith.constant 0 : i32
        %dma_start3A_73 = arith.constant 0 : i32
        %dma_start3A_74 = tpu.memref_slice %arg11[%dma_start3A_72, %dma_start3A_73] : memref<10240x128xf32, #tpu.memory_space<vmem_shared>> -> memref<10240x128xf32, #tpu.memory_space<vmem_shared>>
        tpu.enqueue_indirect_dma source(%arg10 : memref<128x128xf32, #tpu.memory_space<vmem>>) target(%dma_start3A_74 : memref<10240x128xf32, #tpu.memory_space<vmem_shared>>) offsets(%dma_start3A_71 : memref<128xi32, #tpu.memory_space<vmem>>) semaphore(%run_scoped3A : memref<!tpu.dma_semaphore, #tpu.memory_space<semaphore_mem>>) {add = true}
        %dma_wait3A_75 = arith.constant 0 : i32
        %dma_wait3A_76 = tpu.memref_slice %arg8[%add3A_68, %dma_wait3A_75] : memref<40x128xi32, #tpu.memory_space<vmem>> -> memref<1x128xi32, #tpu.memory_space<vmem>>
        %dma_wait3A_77 = tpu.memref_squeeze %dma_wait3A_76 : memref<1x128xi32, #tpu.memory_space<vmem>> -> memref<128xi32, #tpu.memory_space<vmem>>
        %dma_wait3A_78 = arith.constant 0 : i32
        %dma_wait3A_79 = arith.constant 0 : i32
        %dma_wait3A_80 = tpu.memref_slice %arg11[%dma_wait3A_78, %dma_wait3A_79] : memref<10240x128xf32, #tpu.memory_space<vmem_shared>> -> memref<10240x128xf32, #tpu.memory_space<vmem_shared>>
        tpu.wait_indirect_dma semaphore(%run_scoped3A : memref<!tpu.dma_semaphore, #tpu.memory_space<semaphore_mem>>) src(%arg10 : memref<128x128xf32, #tpu.memory_space<vmem>>) dst(%dma_wait3A_80 : memref<10240x128xf32, #tpu.memory_space<vmem_shared>>)
        tpu.yield
      }) : () -> ()
    }
    %scan3A_33 = arith.constant 20 : i32
    %barrier3A_34 = arith.constant 0 : index
    tpu.barrier barrier_id(%barrier3A_34)
    %mul3A_35 = arith.constant 640 : i32
    %mul3A_36 = arith.muli %arg1, %mul3A_35 : i32
    %mul3A_37 = arith.constant 640 : i32
    %mul3A_38 = arith.muli %arg1, %mul3A_37 : i32
    "tpu.region"() ({
      %run_scoped3A = tpu.sem_alloc : memref<!tpu.dma_semaphore, #tpu.memory_space<semaphore_mem>>
      %dma_start3A_39 = arith.constant 0 : i32
      %dma_start3A_40 = tpu.memref_slice %arg6[%arg0, %mul3A_38, %dma_start3A_39] : memref<2x10240x128xf32, #tpu.memory_space<hbm>> -> memref<1x640x128xf32, #tpu.memory_space<hbm>>
      %dma_start3A_41 = tpu.memref_squeeze %dma_start3A_40 : memref<1x640x128xf32, #tpu.memory_space<hbm>> -> memref<640x128xf32, #tpu.memory_space<hbm>>
      %dma_start3A_42 = arith.constant 0 : i32
      %dma_start3A_43 = tpu.memref_slice %arg11[%mul3A_36, %dma_start3A_42] : memref<10240x128xf32, #tpu.memory_space<vmem_shared>> -> memref<640x128xf32, #tpu.memory_space<vmem_shared>>
      tpu.enqueue_dma source(%dma_start3A_43 : memref<640x128xf32, #tpu.memory_space<vmem_shared>>) target(%dma_start3A_41 : memref<640x128xf32, #tpu.memory_space<hbm>>) target_semaphore(%run_scoped3A : memref<!tpu.dma_semaphore, #tpu.memory_space<semaphore_mem>>)
      %dma_wait3A = arith.constant 0 : i32
      %dma_wait3A_44 = tpu.memref_slice %arg6[%arg0, %mul3A_38, %dma_wait3A] : memref<2x10240x128xf32, #tpu.memory_space<hbm>> -> memref<1x640x128xf32, #tpu.memory_space<hbm>>
      %dma_wait3A_45 = tpu.memref_squeeze %dma_wait3A_44 : memref<1x640x128xf32, #tpu.memory_space<hbm>> -> memref<640x128xf32, #tpu.memory_space<hbm>>
      %dma_wait3A_46 = arith.constant 0 : i32
      %dma_wait3A_47 = tpu.memref_slice %arg11[%mul3A_36, %dma_wait3A_46] : memref<10240x128xf32, #tpu.memory_space<vmem_shared>> -> memref<640x128xf32, #tpu.memory_space<vmem_shared>>
      tpu.wait_dma2 semaphore(%run_scoped3A : memref<!tpu.dma_semaphore, #tpu.memory_space<semaphore_mem>>) src(%dma_wait3A_47 : memref<640x128xf32, #tpu.memory_space<vmem_shared>>) dst(%dma_wait3A_45 : memref<640x128xf32, #tpu.memory_space<hbm>>)
      tpu.yield
    }) : () -> ()
    return
  }
}

#map = affine_map<(d0, d1) -> (0, 0, 0)>
#map1 = affine_map<(d0, d1) -> (0)>
#map2 = affine_map<(d0, d1) -> (0, 0)>
module attributes {stable_mosaic.version = 14 : i64} {
  func.func @_deg_kernel(%arg0: i32, %arg1: i32, %arg2: memref<16x160x128xi32, #tpu.memory_space<hbm>>, %arg3: memref<16x160x128xi32, #tpu.memory_space<hbm>>, %arg4: memref<10240xf32, #tpu.memory_space<hbm>>, %arg5: memref<2x10240xf32, #tpu.memory_space<hbm>>, %arg6: memref<2x10240xf32, #tpu.memory_space<hbm>>, %arg7: memref<80x128xi32, #tpu.memory_space<vmem>>, %arg8: memref<80x128xi32, #tpu.memory_space<vmem>>, %arg9: memref<128xf32, #tpu.memory_space<vmem>>, %arg10: memref<10240xf32, #tpu.memory_space<vmem_shared>>, %arg11: memref<10240xf32, #tpu.memory_space<vmem_shared>>) attributes {dimension_semantics = [#tpu.dimension_semantics<core_parallel>, #tpu.dimension_semantics<subcore_parallel>], iteration_bounds = array<i64: 2, 16>, scalar_prefetch = 0 : i64, scratch_operands = 5 : i64, tpu.core_type = #tpu.core_type<sc_vector_subcore>, window_params = [{transform_indices = #map}, {transform_indices = #map}, {transform_indices = #map1}, {transform_indices = #map2}, {transform_indices = #map2}]} {
    %mul3A = arith.constant 640 : i32
    %mul3A_0 = arith.muli %arg1, %mul3A : i32
    %mul3A_1 = arith.constant 640 : i32
    %mul3A_2 = arith.muli %arg1, %mul3A_1 : i32
    "tpu.region"() ({
      %run_scoped3A = tpu.sem_alloc : memref<!tpu.dma_semaphore, #tpu.memory_space<semaphore_mem>>
      %dma_start3A = tpu.memref_slice %arg10[%mul3A_2] : memref<10240xf32, #tpu.memory_space<vmem_shared>> -> memref<640xf32, #tpu.memory_space<vmem_shared>>
      %dma_start3A_71 = tpu.memref_slice %arg4[%mul3A_0] : memref<10240xf32, #tpu.memory_space<hbm>> -> memref<640xf32, #tpu.memory_space<hbm>>
      tpu.enqueue_dma source(%dma_start3A_71 : memref<640xf32, #tpu.memory_space<hbm>>) target(%dma_start3A : memref<640xf32, #tpu.memory_space<vmem_shared>>) target_semaphore(%run_scoped3A : memref<!tpu.dma_semaphore, #tpu.memory_space<semaphore_mem>>)
      %dma_wait3A = tpu.memref_slice %arg10[%mul3A_2] : memref<10240xf32, #tpu.memory_space<vmem_shared>> -> memref<640xf32, #tpu.memory_space<vmem_shared>>
      %dma_wait3A_72 = tpu.memref_slice %arg4[%mul3A_0] : memref<10240xf32, #tpu.memory_space<hbm>> -> memref<640xf32, #tpu.memory_space<hbm>>
      tpu.wait_dma2 semaphore(%run_scoped3A : memref<!tpu.dma_semaphore, #tpu.memory_space<semaphore_mem>>) src(%dma_wait3A_72 : memref<640xf32, #tpu.memory_space<hbm>>) dst(%dma_wait3A : memref<640xf32, #tpu.memory_space<vmem_shared>>)
      tpu.yield
    }) : () -> ()
    %mul3A_3 = arith.constant 640 : i32
    %mul3A_4 = arith.muli %arg1, %mul3A_3 : i32
    %mul3A_5 = arith.constant 640 : i32
    %mul3A_6 = arith.muli %arg1, %mul3A_5 : i32
    "tpu.region"() ({
      %run_scoped3A = tpu.sem_alloc : memref<!tpu.dma_semaphore, #tpu.memory_space<semaphore_mem>>
      %dma_start3A = tpu.memref_slice %arg11[%mul3A_6] : memref<10240xf32, #tpu.memory_space<vmem_shared>> -> memref<640xf32, #tpu.memory_space<vmem_shared>>
      %dma_start3A_71 = tpu.memref_slice %arg4[%mul3A_4] : memref<10240xf32, #tpu.memory_space<hbm>> -> memref<640xf32, #tpu.memory_space<hbm>>
      tpu.enqueue_dma source(%dma_start3A_71 : memref<640xf32, #tpu.memory_space<hbm>>) target(%dma_start3A : memref<640xf32, #tpu.memory_space<vmem_shared>>) target_semaphore(%run_scoped3A : memref<!tpu.dma_semaphore, #tpu.memory_space<semaphore_mem>>)
      %dma_wait3A = tpu.memref_slice %arg11[%mul3A_6] : memref<10240xf32, #tpu.memory_space<vmem_shared>> -> memref<640xf32, #tpu.memory_space<vmem_shared>>
      %dma_wait3A_72 = tpu.memref_slice %arg4[%mul3A_4] : memref<10240xf32, #tpu.memory_space<hbm>> -> memref<640xf32, #tpu.memory_space<hbm>>
      tpu.wait_dma2 semaphore(%run_scoped3A : memref<!tpu.dma_semaphore, #tpu.memory_space<semaphore_mem>>) src(%dma_wait3A_72 : memref<640xf32, #tpu.memory_space<hbm>>) dst(%dma_wait3A : memref<640xf32, #tpu.memory_space<vmem_shared>>)
      tpu.yield
    }) : () -> ()
    %mul3A_7 = arith.constant 80 : i32
    %mul3A_8 = arith.muli %arg0, %mul3A_7 : i32
    "tpu.region"() ({
      %run_scoped3A = tpu.sem_alloc : memref<!tpu.dma_semaphore, #tpu.memory_space<semaphore_mem>>
      %dma_start3A = arith.constant 0 : i32
      %dma_start3A_71 = tpu.memref_slice %arg2[%arg1, %mul3A_8, %dma_start3A] : memref<16x160x128xi32, #tpu.memory_space<hbm>> -> memref<1x80x128xi32, #tpu.memory_space<hbm>>
      %dma_start3A_72 = tpu.memref_squeeze %dma_start3A_71 : memref<1x80x128xi32, #tpu.memory_space<hbm>> -> memref<80x128xi32, #tpu.memory_space<hbm>>
      %dma_start3A_73 = arith.constant 0 : i32
      %dma_start3A_74 = tpu.memref_slice %arg2[%arg1, %mul3A_8, %dma_start3A_73] : memref<16x160x128xi32, #tpu.memory_space<hbm>> -> memref<1x80x128xi32, #tpu.memory_space<hbm>>
      %dma_start3A_75 = tpu.memref_squeeze %dma_start3A_74 : memref<1x80x128xi32, #tpu.memory_space<hbm>> -> memref<80x128xi32, #tpu.memory_space<hbm>>
      tpu.enqueue_dma source(%dma_start3A_75 : memref<80x128xi32, #tpu.memory_space<hbm>>) target(%arg7 : memref<80x128xi32, #tpu.memory_space<vmem>>) target_semaphore(%run_scoped3A : memref<!tpu.dma_semaphore, #tpu.memory_space<semaphore_mem>>)
      %dma_wait3A = arith.constant 0 : i32
      %dma_wait3A_76 = tpu.memref_slice %arg2[%arg1, %mul3A_8, %dma_wait3A] : memref<16x160x128xi32, #tpu.memory_space<hbm>> -> memref<1x80x128xi32, #tpu.memory_space<hbm>>
      %dma_wait3A_77 = tpu.memref_squeeze %dma_wait3A_76 : memref<1x80x128xi32, #tpu.memory_space<hbm>> -> memref<80x128xi32, #tpu.memory_space<hbm>>
      %dma_wait3A_78 = arith.constant 0 : i32
      %dma_wait3A_79 = tpu.memref_slice %arg2[%arg1, %mul3A_8, %dma_wait3A_78] : memref<16x160x128xi32, #tpu.memory_space<hbm>> -> memref<1x80x128xi32, #tpu.memory_space<hbm>>
      %dma_wait3A_80 = tpu.memref_squeeze %dma_wait3A_79 : memref<1x80x128xi32, #tpu.memory_space<hbm>> -> memref<80x128xi32, #tpu.memory_space<hbm>>
      tpu.wait_dma2 semaphore(%run_scoped3A : memref<!tpu.dma_semaphore, #tpu.memory_space<semaphore_mem>>) src(%dma_wait3A_80 : memref<80x128xi32, #tpu.memory_space<hbm>>) dst(%arg7 : memref<80x128xi32, #tpu.memory_space<vmem>>)
      tpu.yield
    }) : () -> ()
    %mul3A_9 = arith.constant 80 : i32
    %mul3A_10 = arith.muli %arg0, %mul3A_9 : i32
    "tpu.region"() ({
      %run_scoped3A = tpu.sem_alloc : memref<!tpu.dma_semaphore, #tpu.memory_space<semaphore_mem>>
      %dma_start3A = arith.constant 0 : i32
      %dma_start3A_71 = tpu.memref_slice %arg3[%arg1, %mul3A_10, %dma_start3A] : memref<16x160x128xi32, #tpu.memory_space<hbm>> -> memref<1x80x128xi32, #tpu.memory_space<hbm>>
      %dma_start3A_72 = tpu.memref_squeeze %dma_start3A_71 : memref<1x80x128xi32, #tpu.memory_space<hbm>> -> memref<80x128xi32, #tpu.memory_space<hbm>>
      %dma_start3A_73 = arith.constant 0 : i32
      %dma_start3A_74 = tpu.memref_slice %arg3[%arg1, %mul3A_10, %dma_start3A_73] : memref<16x160x128xi32, #tpu.memory_space<hbm>> -> memref<1x80x128xi32, #tpu.memory_space<hbm>>
      %dma_start3A_75 = tpu.memref_squeeze %dma_start3A_74 : memref<1x80x128xi32, #tpu.memory_space<hbm>> -> memref<80x128xi32, #tpu.memory_space<hbm>>
      tpu.enqueue_dma source(%dma_start3A_75 : memref<80x128xi32, #tpu.memory_space<hbm>>) target(%arg8 : memref<80x128xi32, #tpu.memory_space<vmem>>) target_semaphore(%run_scoped3A : memref<!tpu.dma_semaphore, #tpu.memory_space<semaphore_mem>>)
      %dma_wait3A = arith.constant 0 : i32
      %dma_wait3A_76 = tpu.memref_slice %arg3[%arg1, %mul3A_10, %dma_wait3A] : memref<16x160x128xi32, #tpu.memory_space<hbm>> -> memref<1x80x128xi32, #tpu.memory_space<hbm>>
      %dma_wait3A_77 = tpu.memref_squeeze %dma_wait3A_76 : memref<1x80x128xi32, #tpu.memory_space<hbm>> -> memref<80x128xi32, #tpu.memory_space<hbm>>
      %dma_wait3A_78 = arith.constant 0 : i32
      %dma_wait3A_79 = tpu.memref_slice %arg3[%arg1, %mul3A_10, %dma_wait3A_78] : memref<16x160x128xi32, #tpu.memory_space<hbm>> -> memref<1x80x128xi32, #tpu.memory_space<hbm>>
      %dma_wait3A_80 = tpu.memref_squeeze %dma_wait3A_79 : memref<1x80x128xi32, #tpu.memory_space<hbm>> -> memref<80x128xi32, #tpu.memory_space<hbm>>
      tpu.wait_dma2 semaphore(%run_scoped3A : memref<!tpu.dma_semaphore, #tpu.memory_space<semaphore_mem>>) src(%dma_wait3A_80 : memref<80x128xi32, #tpu.memory_space<hbm>>) dst(%arg8 : memref<80x128xi32, #tpu.memory_space<vmem>>)
      tpu.yield
    }) : () -> ()
    %broadcast_in_dim3A = arith.constant 1.000000e+00 : f32
    %broadcast_in_dim3A_11 = vector.broadcast %broadcast_in_dim3A : f32 to vector<16xf32>
    %swap3A = arith.constant 0 : index
    %swap3A_12 = tpu.vector_load %arg9[%swap3A] {strides = array<i32>} : memref<128xf32, #tpu.memory_space<vmem>>, vector<16xf32>,
    %swap3A_13 = vector.shape_cast %swap3A_12 : vector<16xf32> to vector<16xf32>
    %swap3A_14 = vector.shape_cast %broadcast_in_dim3A_11 : vector<16xf32> to vector<16xf32>
    tpu.vector_store %arg9[%swap3A], %swap3A_14 {strides = array<i32>} : memref<128xf32, #tpu.memory_space<vmem>>, vector<16xf32>,
    %broadcast_in_dim3A_15 = arith.constant 1.000000e+00 : f32
    %broadcast_in_dim3A_16 = vector.broadcast %broadcast_in_dim3A_15 : f32 to vector<16xf32>
    %swap3A_17 = arith.constant 16 : index
    %swap3A_18 = tpu.vector_load %arg9[%swap3A_17] {strides = array<i32>} : memref<128xf32, #tpu.memory_space<vmem>>, vector<16xf32>,
    %swap3A_19 = vector.shape_cast %swap3A_18 : vector<16xf32> to vector<16xf32>
    %swap3A_20 = vector.shape_cast %broadcast_in_dim3A_16 : vector<16xf32> to vector<16xf32>
    tpu.vector_store %arg9[%swap3A_17], %swap3A_20 {strides = array<i32>} : memref<128xf32, #tpu.memory_space<vmem>>, vector<16xf32>,
    %broadcast_in_dim3A_21 = arith.constant 1.000000e+00 : f32
    %broadcast_in_dim3A_22 = vector.broadcast %broadcast_in_dim3A_21 : f32 to vector<16xf32>
    %swap3A_23 = arith.constant 32 : index
    %swap3A_24 = tpu.vector_load %arg9[%swap3A_23] {strides = array<i32>} : memref<128xf32, #tpu.memory_space<vmem>>, vector<16xf32>,
    %swap3A_25 = vector.shape_cast %swap3A_24 : vector<16xf32> to vector<16xf32>
    %swap3A_26 = vector.shape_cast %broadcast_in_dim3A_22 : vector<16xf32> to vector<16xf32>
    tpu.vector_store %arg9[%swap3A_23], %swap3A_26 {strides = array<i32>} : memref<128xf32, #tpu.memory_space<vmem>>, vector<16xf32>,
    %broadcast_in_dim3A_27 = arith.constant 1.000000e+00 : f32
    %broadcast_in_dim3A_28 = vector.broadcast %broadcast_in_dim3A_27 : f32 to vector<16xf32>
    %swap3A_29 = arith.constant 48 : index
    %swap3A_30 = tpu.vector_load %arg9[%swap3A_29] {strides = array<i32>} : memref<128xf32, #tpu.memory_space<vmem>>, vector<16xf32>,
    %swap3A_31 = vector.shape_cast %swap3A_30 : vector<16xf32> to vector<16xf32>
    %swap3A_32 = vector.shape_cast %broadcast_in_dim3A_28 : vector<16xf32> to vector<16xf32>
    tpu.vector_store %arg9[%swap3A_29], %swap3A_32 {strides = array<i32>} : memref<128xf32, #tpu.memory_space<vmem>>, vector<16xf32>,
    %broadcast_in_dim3A_33 = arith.constant 1.000000e+00 : f32
    %broadcast_in_dim3A_34 = vector.broadcast %broadcast_in_dim3A_33 : f32 to vector<16xf32>
    %swap3A_35 = arith.constant 64 : index
    %swap3A_36 = tpu.vector_load %arg9[%swap3A_35] {strides = array<i32>} : memref<128xf32, #tpu.memory_space<vmem>>, vector<16xf32>,
    %swap3A_37 = vector.shape_cast %swap3A_36 : vector<16xf32> to vector<16xf32>
    %swap3A_38 = vector.shape_cast %broadcast_in_dim3A_34 : vector<16xf32> to vector<16xf32>
    tpu.vector_store %arg9[%swap3A_35], %swap3A_38 {strides = array<i32>} : memref<128xf32, #tpu.memory_space<vmem>>, vector<16xf32>,
    %broadcast_in_dim3A_39 = arith.constant 1.000000e+00 : f32
    %broadcast_in_dim3A_40 = vector.broadcast %broadcast_in_dim3A_39 : f32 to vector<16xf32>
    %swap3A_41 = arith.constant 80 : index
    %swap3A_42 = tpu.vector_load %arg9[%swap3A_41] {strides = array<i32>} : memref<128xf32, #tpu.memory_space<vmem>>, vector<16xf32>,
    %swap3A_43 = vector.shape_cast %swap3A_42 : vector<16xf32> to vector<16xf32>
    %swap3A_44 = vector.shape_cast %broadcast_in_dim3A_40 : vector<16xf32> to vector<16xf32>
    tpu.vector_store %arg9[%swap3A_41], %swap3A_44 {strides = array<i32>} : memref<128xf32, #tpu.memory_space<vmem>>, vector<16xf32>,
    %broadcast_in_dim3A_45 = arith.constant 1.000000e+00 : f32
    %broadcast_in_dim3A_46 = vector.broadcast %broadcast_in_dim3A_45 : f32 to vector<16xf32>
    %swap3A_47 = arith.constant 96 : index
    %swap3A_48 = tpu.vector_load %arg9[%swap3A_47] {strides = array<i32>} : memref<128xf32, #tpu.memory_space<vmem>>, vector<16xf32>,
    %swap3A_49 = vector.shape_cast %swap3A_48 : vector<16xf32> to vector<16xf32>
    %swap3A_50 = vector.shape_cast %broadcast_in_dim3A_46 : vector<16xf32> to vector<16xf32>
    tpu.vector_store %arg9[%swap3A_47], %swap3A_50 {strides = array<i32>} : memref<128xf32, #tpu.memory_space<vmem>>, vector<16xf32>,
    %broadcast_in_dim3A_51 = arith.constant 1.000000e+00 : f32
    %broadcast_in_dim3A_52 = vector.broadcast %broadcast_in_dim3A_51 : f32 to vector<16xf32>
    %swap3A_53 = arith.constant 112 : index
    %swap3A_54 = tpu.vector_load %arg9[%swap3A_53] {strides = array<i32>} : memref<128xf32, #tpu.memory_space<vmem>>, vector<16xf32>,
    %swap3A_55 = vector.shape_cast %swap3A_54 : vector<16xf32> to vector<16xf32>
    %swap3A_56 = vector.shape_cast %broadcast_in_dim3A_52 : vector<16xf32> to vector<16xf32>
    tpu.vector_store %arg9[%swap3A_53], %swap3A_56 {strides = array<i32>} : memref<128xf32, #tpu.memory_space<vmem>>, vector<16xf32>,
    %barrier3A = arith.constant 0 : index
    tpu.barrier barrier_id(%barrier3A)
    %scan3A = arith.constant 0 : i32
    %scan3A_57 = arith.constant 0 : i32
    %scan3A_58 = arith.constant 80 : i32
    %scan3A_59 = arith.addi %scan3A_57, %scan3A_58 : i32
    %scan3A_60 = arith.constant 1 : i32
    scf.for %scan3A_71 = %scan3A_57 to %scan3A_59 step %scan3A_60  : i32 {
      "tpu.region"() ({
        %run_scoped3A = tpu.sem_alloc : memref<!tpu.dma_semaphore, #tpu.memory_space<semaphore_mem>>
        %dma_start3A = arith.constant 0 : i32
        %dma_start3A_72 = tpu.memref_slice %arg7[%scan3A_71, %dma_start3A] : memref<80x128xi32, #tpu.memory_space<vmem>> -> memref<1x128xi32, #tpu.memory_space<vmem>>
        %dma_start3A_73 = tpu.memref_squeeze %dma_start3A_72 : memref<1x128xi32, #tpu.memory_space<vmem>> -> memref<128xi32, #tpu.memory_space<vmem>>
        %dma_start3A_74 = arith.constant 0 : i32
        %dma_start3A_75 = tpu.memref_slice %arg10[%dma_start3A_74] : memref<10240xf32, #tpu.memory_space<vmem_shared>> -> memref<10240xf32, #tpu.memory_space<vmem_shared>>
        tpu.enqueue_indirect_dma source(%arg9 : memref<128xf32, #tpu.memory_space<vmem>>) target(%dma_start3A_75 : memref<10240xf32, #tpu.memory_space<vmem_shared>>) offsets(%dma_start3A_73 : memref<128xi32, #tpu.memory_space<vmem>>) semaphore(%run_scoped3A : memref<!tpu.dma_semaphore, #tpu.memory_space<semaphore_mem>>) {add = true}
        %dma_wait3A = arith.constant 0 : i32
        %dma_wait3A_76 = tpu.memref_slice %arg7[%scan3A_71, %dma_wait3A] : memref<80x128xi32, #tpu.memory_space<vmem>> -> memref<1x128xi32, #tpu.memory_space<vmem>>
        %dma_wait3A_77 = tpu.memref_squeeze %dma_wait3A_76 : memref<1x128xi32, #tpu.memory_space<vmem>> -> memref<128xi32, #tpu.memory_space<vmem>>
        %dma_wait3A_78 = arith.constant 0 : i32
        %dma_wait3A_79 = tpu.memref_slice %arg10[%dma_wait3A_78] : memref<10240xf32, #tpu.memory_space<vmem_shared>> -> memref<10240xf32, #tpu.memory_space<vmem_shared>>
        tpu.wait_indirect_dma semaphore(%run_scoped3A : memref<!tpu.dma_semaphore, #tpu.memory_space<semaphore_mem>>) src(%arg9 : memref<128xf32, #tpu.memory_space<vmem>>) dst(%dma_wait3A_79 : memref<10240xf32, #tpu.memory_space<vmem_shared>>)
        tpu.yield
      }) : () -> ()
      "tpu.region"() ({
        %run_scoped3A = tpu.sem_alloc : memref<!tpu.dma_semaphore, #tpu.memory_space<semaphore_mem>>
        %dma_start3A = arith.constant 0 : i32
        %dma_start3A_72 = tpu.memref_slice %arg8[%scan3A_71, %dma_start3A] : memref<80x128xi32, #tpu.memory_space<vmem>> -> memref<1x128xi32, #tpu.memory_space<vmem>>
        %dma_start3A_73 = tpu.memref_squeeze %dma_start3A_72 : memref<1x128xi32, #tpu.memory_space<vmem>> -> memref<128xi32, #tpu.memory_space<vmem>>
        %dma_start3A_74 = arith.constant 0 : i32
        %dma_start3A_75 = tpu.memref_slice %arg11[%dma_start3A_74] : memref<10240xf32, #tpu.memory_space<vmem_shared>> -> memref<10240xf32, #tpu.memory_space<vmem_shared>>
        tpu.enqueue_indirect_dma source(%arg9 : memref<128xf32, #tpu.memory_space<vmem>>) target(%dma_start3A_75 : memref<10240xf32, #tpu.memory_space<vmem_shared>>) offsets(%dma_start3A_73 : memref<128xi32, #tpu.memory_space<vmem>>) semaphore(%run_scoped3A : memref<!tpu.dma_semaphore, #tpu.memory_space<semaphore_mem>>) {add = true}
        %dma_wait3A = arith.constant 0 : i32
        %dma_wait3A_76 = tpu.memref_slice %arg8[%scan3A_71, %dma_wait3A] : memref<80x128xi32, #tpu.memory_space<vmem>> -> memref<1x128xi32, #tpu.memory_space<vmem>>
        %dma_wait3A_77 = tpu.memref_squeeze %dma_wait3A_76 : memref<1x128xi32, #tpu.memory_space<vmem>> -> memref<128xi32, #tpu.memory_space<vmem>>
        %dma_wait3A_78 = arith.constant 0 : i32
        %dma_wait3A_79 = tpu.memref_slice %arg11[%dma_wait3A_78] : memref<10240xf32, #tpu.memory_space<vmem_shared>> -> memref<10240xf32, #tpu.memory_space<vmem_shared>>
        tpu.wait_indirect_dma semaphore(%run_scoped3A : memref<!tpu.dma_semaphore, #tpu.memory_space<semaphore_mem>>) src(%arg9 : memref<128xf32, #tpu.memory_space<vmem>>) dst(%dma_wait3A_79 : memref<10240xf32, #tpu.memory_space<vmem_shared>>)
        tpu.yield
      }) : () -> ()
    }
    %scan3A_61 = arith.constant 80 : i32
    %barrier3A_62 = arith.constant 0 : index
    tpu.barrier barrier_id(%barrier3A_62)
    %mul3A_63 = arith.constant 640 : i32
    %mul3A_64 = arith.muli %arg1, %mul3A_63 : i32
    %mul3A_65 = arith.constant 640 : i32
    %mul3A_66 = arith.muli %arg1, %mul3A_65 : i32
    "tpu.region"() ({
      %run_scoped3A = tpu.sem_alloc : memref<!tpu.dma_semaphore, #tpu.memory_space<semaphore_mem>>
      %dma_start3A = tpu.memref_slice %arg5[%arg0, %mul3A_66] : memref<2x10240xf32, #tpu.memory_space<hbm>> -> memref<1x640xf32, #tpu.memory_space<hbm>>
      %dma_start3A_71 = tpu.memref_squeeze %dma_start3A : memref<1x640xf32, #tpu.memory_space<hbm>> -> memref<640xf32, #tpu.memory_space<hbm>>
      %dma_start3A_72 = tpu.memref_slice %arg10[%mul3A_64] : memref<10240xf32, #tpu.memory_space<vmem_shared>> -> memref<640xf32, #tpu.memory_space<vmem_shared>>
      tpu.enqueue_dma source(%dma_start3A_72 : memref<640xf32, #tpu.memory_space<vmem_shared>>) target(%dma_start3A_71 : memref<640xf32, #tpu.memory_space<hbm>>) target_semaphore(%run_scoped3A : memref<!tpu.dma_semaphore, #tpu.memory_space<semaphore_mem>>)
      %dma_wait3A = tpu.memref_slice %arg5[%arg0, %mul3A_66] : memref<2x10240xf32, #tpu.memory_space<hbm>> -> memref<1x640xf32, #tpu.memory_space<hbm>>
      %dma_wait3A_73 = tpu.memref_squeeze %dma_wait3A : memref<1x640xf32, #tpu.memory_space<hbm>> -> memref<640xf32, #tpu.memory_space<hbm>>
      %dma_wait3A_74 = tpu.memref_slice %arg10[%mul3A_64] : memref<10240xf32, #tpu.memory_space<vmem_shared>> -> memref<640xf32, #tpu.memory_space<vmem_shared>>
      tpu.wait_dma2 semaphore(%run_scoped3A : memref<!tpu.dma_semaphore, #tpu.memory_space<semaphore_mem>>) src(%dma_wait3A_74 : memref<640xf32, #tpu.memory_space<vmem_shared>>) dst(%dma_wait3A_73 : memref<640xf32, #tpu.memory_space<hbm>>)
      tpu.yield
    }) : () -> ()
    %mul3A_67 = arith.constant 640 : i32
    %mul3A_68 = arith.muli %arg1, %mul3A_67 : i32
    %mul3A_69 = arith.constant 640 : i32
    %mul3A_70 = arith.muli %arg1, %mul3A_69 : i32
    "tpu.region"() ({
      %run_scoped3A = tpu.sem_alloc : memref<!tpu.dma_semaphore, #tpu.memory_space<semaphore_mem>>
      %dma_start3A = tpu.memref_slice %arg6[%arg0, %mul3A_70] : memref<2x10240xf32, #tpu.memory_space<hbm>> -> memref<1x640xf32, #tpu.memory_space<hbm>>
      %dma_start3A_71 = tpu.memref_squeeze %dma_start3A : memref<1x640xf32, #tpu.memory_space<hbm>> -> memref<640xf32, #tpu.memory_space<hbm>>
      %dma_start3A_72 = tpu.memref_slice %arg11[%mul3A_68] : memref<10240xf32, #tpu.memory_space<vmem_shared>> -> memref<640xf32, #tpu.memory_space<vmem_shared>>
      tpu.enqueue_dma source(%dma_start3A_72 : memref<640xf32, #tpu.memory_space<vmem_shared>>) target(%dma_start3A_71 : memref<640xf32, #tpu.memory_space<hbm>>) target_semaphore(%run_scoped3A : memref<!tpu.dma_semaphore, #tpu.memory_space<semaphore_mem>>)
      %dma_wait3A = tpu.memref_slice %arg6[%arg0, %mul3A_70] : memref<2x10240xf32, #tpu.memory_space<hbm>> -> memref<1x640xf32, #tpu.memory_space<hbm>>
      %dma_wait3A_73 = tpu.memref_squeeze %dma_wait3A : memref<1x640xf32, #tpu.memory_space<hbm>> -> memref<640xf32, #tpu.memory_space<hbm>>
      %dma_wait3A_74 = tpu.memref_slice %arg11[%mul3A_68] : memref<10240xf32, #tpu.memory_space<vmem_shared>> -> memref<640xf32, #tpu.memory_space<vmem_shared>>
      tpu.wait_dma2 semaphore(%run_scoped3A : memref<!tpu.dma_semaphore, #tpu.memory_space<semaphore_mem>>) src(%dma_wait3A_74 : memref<640xf32, #tpu.memory_space<vmem_shared>>) dst(%dma_wait3A_73 : memref<640xf32, #tpu.memory_space<hbm>>)
      tpu.yield
    }) : () -> ()
    return
  }
}

module attributes {stable_mosaic.version = 14 : i64} {
  func.func @_scale_body(%arg0: memref<10000x128xf32, #tpu.memory_space<vmem>>, %arg1: memref<10000x1xf32, #tpu.memory_space<vmem>>, %arg2: memref<10000x1xf32, #tpu.memory_space<vmem>>, %arg3: memref<10000x1xf32, #tpu.memory_space<vmem>>, %arg4: memref<10000x1xf32, #tpu.memory_space<vmem>>, %arg5: memref<10240x128xf32, #tpu.memory_space<vmem>>, %arg6: memref<10000x1xf32, #tpu.memory_space<vmem>>) attributes {dimension_semantics = [], scalar_prefetch = 0 : i64, scratch_operands = 0 : i64, tpu.core_type = #tpu.core_type<tc>} {
    %get3A = arith.constant 0 : index
    %get3A_0 = arith.constant 0 : index
    %get3A_1 = vector.load %arg1[%get3A, %get3A_0] : memref<10000x1xf32, #tpu.memory_space<vmem>>, vector<10000x1xf32>
    %get3A_2 = arith.constant 0 : index
    %get3A_3 = arith.constant 0 : index
    %get3A_4 = vector.load %arg2[%get3A_2, %get3A_3] : memref<10000x1xf32, #tpu.memory_space<vmem>>, vector<10000x1xf32>
    %add3A = arith.addf %get3A_1, %get3A_4 : vector<10000x1xf32>
    %max3A = arith.constant 1.000000e+00 : f32
    %max3A_5 = vector.broadcast %max3A : f32 to vector<10000x1xf32>
    %max3A_6 = arith.maximumf %add3A, %max3A_5 : vector<10000x1xf32>
    %get3A_7 = arith.constant 0 : index
    %get3A_8 = arith.constant 0 : index
    %get3A_9 = vector.load %arg3[%get3A_7, %get3A_8] : memref<10000x1xf32, #tpu.memory_space<vmem>>, vector<10000x1xf32>
    %get3A_10 = arith.constant 0 : index
    %get3A_11 = arith.constant 0 : index
    %get3A_12 = vector.load %arg4[%get3A_10, %get3A_11] : memref<10000x1xf32, #tpu.memory_space<vmem>>, vector<10000x1xf32>
    %add3A_13 = arith.addf %get3A_9, %get3A_12 : vector<10000x1xf32>
    %max3A_14 = arith.constant 1.000000e+00 : f32
    %max3A_15 = vector.broadcast %max3A_14 : f32 to vector<10000x1xf32>
    %max3A_16 = arith.maximumf %add3A_13, %max3A_15 : vector<10000x1xf32>
    %get3A_17 = arith.constant 0 : index
    %get3A_18 = arith.constant 0 : index
    %get3A_19 = vector.load %arg0[%get3A_17, %get3A_18] : memref<10000x128xf32, #tpu.memory_space<vmem>>, vector<10000x128xf32>
    %rsqrt3A = math.rsqrt %max3A_6 : vector<10000x1xf32>
    %mul3A = vector.broadcast %rsqrt3A : vector<10000x1xf32> to vector<10000x128xf32>
    %mul3A_20 = arith.mulf %get3A_19, %mul3A : vector<10000x128xf32>
    %swap3A = arith.constant 0 : index
    %swap3A_21 = arith.constant 0 : index
    %swap3A_22 = vector.load %arg5[%swap3A, %swap3A_21] : memref<10240x128xf32, #tpu.memory_space<vmem>>, vector<10000x128xf32>
    tpu.vector_store %arg5[%swap3A, %swap3A_21], %mul3A_20 {strides = array<i32>} : memref<10240x128xf32, #tpu.memory_space<vmem>>, vector<10000x128xf32>,
    %broadcast_in_dim3A = arith.constant 0.000000e+00 : f32
    %broadcast_in_dim3A_23 = vector.broadcast %broadcast_in_dim3A : f32 to vector<240x128xf32>
    %swap3A_24 = arith.constant 10000 : index
    %swap3A_25 = arith.constant 0 : index
    %swap3A_26 = vector.load %arg5[%swap3A_24, %swap3A_25] : memref<10240x128xf32, #tpu.memory_space<vmem>>, vector<240x128xf32>
    tpu.vector_store %arg5[%swap3A_24, %swap3A_25], %broadcast_in_dim3A_23 {strides = array<i32>} : memref<10240x128xf32, #tpu.memory_space<vmem>>, vector<240x128xf32>,
    %rsqrt3A_27 = math.rsqrt %max3A_16 : vector<10000x1xf32>
    %swap3A_28 = arith.constant 0 : index
    %swap3A_29 = arith.constant 0 : index
    %swap3A_30 = vector.load %arg6[%swap3A_28, %swap3A_29] : memref<10000x1xf32, #tpu.memory_space<vmem>>, vector<10000x1xf32>
    tpu.vector_store %arg6[%swap3A_28, %swap3A_29], %rsqrt3A_27 {strides = array<i32>} : memref<10000x1xf32, #tpu.memory_space<vmem>>, vector<10000x1xf32>,
    return
  }
}

module attributes {stable_mosaic.version = 14 : i64} {
  func.func @_final_body(%arg0: memref<2x10240x128xf32, #tpu.memory_space<vmem>>, %arg1: memref<10000x1xf32, #tpu.memory_space<vmem>>, %arg2: memref<10000x128xf32, #tpu.memory_space<vmem>>, %arg3: memref<128x128xf32, #tpu.memory_space<vmem>>, %arg4: memref<128x128xf32, #tpu.memory_space<vmem>>, %arg5: memref<1x128xf32, #tpu.memory_space<vmem>>, %arg6: memref<1x128xf32, #tpu.memory_space<vmem>>, %arg7: memref<10000x128xf32, #tpu.memory_space<vmem>>) attributes {dimension_semantics = [], scalar_prefetch = 0 : i64, scratch_operands = 0 : i64, tpu.core_type = #tpu.core_type<tc>} {
    %get3A = arith.constant 0 : index
    %get3A_0 = arith.constant 0 : index
    %get3A_1 = arith.constant 0 : index
    %get3A_2 = vector.load %arg0[%get3A, %get3A_0, %get3A_1] : memref<2x10240x128xf32, #tpu.memory_space<vmem>>, vector<1x10000x128xf32>
    %get3A_3 = vector.shape_cast %get3A_2 : vector<1x10000x128xf32> to vector<10000x128xf32>
    %get3A_4 = arith.constant 1 : index
    %get3A_5 = arith.constant 0 : index
    %get3A_6 = arith.constant 0 : index
    %get3A_7 = vector.load %arg0[%get3A_4, %get3A_5, %get3A_6] : memref<2x10240x128xf32, #tpu.memory_space<vmem>>, vector<1x10000x128xf32>
    %get3A_8 = vector.shape_cast %get3A_7 : vector<1x10000x128xf32> to vector<10000x128xf32>
    %add3A = arith.addf %get3A_3, %get3A_8 : vector<10000x128xf32>
    %get3A_9 = arith.constant 0 : index
    %get3A_10 = arith.constant 0 : index
    %get3A_11 = vector.load %arg1[%get3A_9, %get3A_10] : memref<10000x1xf32, #tpu.memory_space<vmem>>, vector<10000x1xf32>
    %mul3A = vector.broadcast %get3A_11 : vector<10000x1xf32> to vector<10000x128xf32>
    %mul3A_12 = arith.mulf %add3A, %mul3A : vector<10000x128xf32>
    %get3A_13 = arith.constant 0 : index
    %get3A_14 = arith.constant 0 : index
    %get3A_15 = vector.load %arg3[%get3A_13, %get3A_14] : memref<128x128xf32, #tpu.memory_space<vmem>>, vector<128x128xf32>
    %dot_general3A = arith.constant dense<0.000000e+00> : vector<10000x128xf32>
    %dot_general3A_16 = tpu.matmul %mul3A_12, %get3A_15, %dot_general3A {dimension_numbers = #tpu.dot_dimension_numbers<[1], [0], [0], [1], [0, 0, 1, 1], [], []>, transpose_lhs_hint = false} : vector<10000x128xf32>, vector<128x128xf32>, vector<10000x128xf32> -> vector<10000x128xf32>
    %max3A = arith.constant 0.000000e+00 : f32
    %max3A_17 = vector.broadcast %max3A : f32 to vector<10000x128xf32>
    %max3A_18 = arith.maximumf %dot_general3A_16, %max3A_17 : vector<10000x128xf32>
    %get3A_19 = arith.constant 0 : index
    %get3A_20 = arith.constant 0 : index
    %get3A_21 = vector.load %arg2[%get3A_19, %get3A_20] : memref<10000x128xf32, #tpu.memory_space<vmem>>, vector<10000x128xf32>
    %get3A_22 = arith.constant 0 : index
    %get3A_23 = arith.constant 0 : index
    %get3A_24 = vector.load %arg4[%get3A_22, %get3A_23] : memref<128x128xf32, #tpu.memory_space<vmem>>, vector<128x128xf32>
    %dot_general3A_25 = arith.constant dense<0.000000e+00> : vector<10000x128xf32>
    %dot_general3A_26 = tpu.matmul %get3A_21, %get3A_24, %dot_general3A_25 {dimension_numbers = #tpu.dot_dimension_numbers<[1], [0], [0], [1], [0, 0, 1, 1], [], []>, transpose_lhs_hint = false} : vector<10000x128xf32>, vector<128x128xf32>, vector<10000x128xf32> -> vector<10000x128xf32>
    %max3A_27 = arith.constant 0.000000e+00 : f32
    %max3A_28 = vector.broadcast %max3A_27 : f32 to vector<10000x128xf32>
    %max3A_29 = arith.maximumf %dot_general3A_26, %max3A_28 : vector<10000x128xf32>
    %add3A_30 = arith.addf %max3A_18, %max3A_29 : vector<10000x128xf32>
    %reduce_sum3A = arith.constant dense<0.000000e+00> : vector<128xf32>
    %reduce_sum3A_31 = vector.multi_reduction <add>, %add3A_30, %reduce_sum3A [0] : vector<10000x128xf32> to vector<128xf32>
    %broadcast_in_dim3A = vector.shape_cast %reduce_sum3A_31 : vector<128xf32> to vector<1x128xf32>
    %div3A = arith.constant 1.000000e+04 : f32
    %div3A_32 = vector.broadcast %div3A : f32 to vector<1x128xf32>
    %div3A_33 = arith.divf %broadcast_in_dim3A, %div3A_32 : vector<1x128xf32>
    %sub3A = vector.broadcast %div3A_33 : vector<1x128xf32> to vector<10000x128xf32>
    %sub3A_34 = arith.subf %add3A_30, %sub3A : vector<10000x128xf32>
    %mul3A_35 = arith.mulf %sub3A_34, %sub3A_34 : vector<10000x128xf32>
    %reduce_sum3A_36 = arith.constant dense<0.000000e+00> : vector<128xf32>
    %reduce_sum3A_37 = vector.multi_reduction <add>, %mul3A_35, %reduce_sum3A_36 [0] : vector<10000x128xf32> to vector<128xf32>
    %broadcast_in_dim3A_38 = vector.shape_cast %reduce_sum3A_37 : vector<128xf32> to vector<1x128xf32>
    %div3A_39 = arith.constant 1.000000e+04 : f32
    %div3A_40 = vector.broadcast %div3A_39 : f32 to vector<1x128xf32>
    %div3A_41 = arith.divf %broadcast_in_dim3A_38, %div3A_40 : vector<1x128xf32>
    %add3A_42 = arith.constant 9.99999974E-6 : f32
    %add3A_43 = vector.broadcast %add3A_42 : f32 to vector<1x128xf32>
    %add3A_44 = arith.addf %div3A_41, %add3A_43 : vector<1x128xf32>
    %rsqrt3A = math.rsqrt %add3A_44 : vector<1x128xf32>
    %mul3A_45 = vector.broadcast %rsqrt3A : vector<1x128xf32> to vector<10000x128xf32>
    %mul3A_46 = arith.mulf %sub3A_34, %mul3A_45 : vector<10000x128xf32>
    %get3A_47 = arith.constant 0 : index
    %get3A_48 = arith.constant 0 : index
    %get3A_49 = vector.load %arg5[%get3A_47, %get3A_48] : memref<1x128xf32, #tpu.memory_space<vmem>>, vector<1x128xf32>
    %mul3A_50 = vector.broadcast %get3A_49 : vector<1x128xf32> to vector<10000x128xf32>
    %mul3A_51 = arith.mulf %mul3A_46, %mul3A_50 : vector<10000x128xf32>
    %get3A_52 = arith.constant 0 : index
    %get3A_53 = arith.constant 0 : index
    %get3A_54 = vector.load %arg6[%get3A_52, %get3A_53] : memref<1x128xf32, #tpu.memory_space<vmem>>, vector<1x128xf32>
    %add3A_55 = vector.broadcast %get3A_54 : vector<1x128xf32> to vector<10000x128xf32>
    %add3A_56 = arith.addf %mul3A_51, %add3A_55 : vector<10000x128xf32>
    %swap3A = arith.constant 0 : index
    %swap3A_57 = arith.constant 0 : index
    %swap3A_58 = vector.load %arg7[%swap3A, %swap3A_57] : memref<10000x128xf32, #tpu.memory_space<vmem>>, vector<10000x128xf32>
    tpu.vector_store %arg7[%swap3A, %swap3A_57], %add3A_56 {strides = array<i32>} : memref<10000x128xf32, #tpu.memory_space<vmem>>, vector<10000x128xf32>,
    return
  }
}

</mosaic_0001>

<sc_bundles>
// kernel: kernel.6.cloned.1.call-start
scs
__scs_entry_jumppad:
0x0: {  	(pc) =	sbr.rel $0x88, $3  }
0x1: {  	(tag) =	ssettag $0x0;
	lr =	simm.s32 $0x1  }
0x2: {  	[smem:$0x3F9B] =	sst lr;
	_ =	strace $0xD0000000  }
0x3: {  	_ = 	snop  }
0x4: {  	_ = 	snop  }
0x5: {  	_ = 	snop  }
0x6: {  	_ = 	snop  }
0x7: {  	_ = 	snop  }
__scs_overlays_trampoline_lowered:
0x8: {  	[smem:$0x3FAA] =	sst s0  }
0x9: {  	[smem:$0x3FAB] =	sst s1  }
0xa: {  	[smem:$0x3FAC] =	sst s2  }
0xb: {  	[smem:$0x3FAD] =	sst s3  }
0xc: {  	[smem:$0x3FAE] =	sst s4  }
0xd: {  	[smem:$0x3FAF] =	sst s5  }
0xe: {  	[smem:$0x3FB0] =	sst s6  }
0xf: {  	[smem:$0x3FB1] =	sst s7  }
0x10: {  	[smem:$0x3FB2] =	sst s8  }
0x11: {  	[smem:$0x3FB3] =	sst s9;
	s0 =	simm.s32 @!p0 $0x0  }
0x12: {  	s1 =	sld [smem:$0x3F99];
	s0 =	simm.s32 @p0 $0x1  }
0x13: {  	[smem:$0x3FB4] =	sst s0;
	s0 =	simm.s32 @!p1 $0x0  }
0x14: {  	s2 =	sld [smem:$0x3F98];
	s0 =	simm.s32 @p1 $0x1  }
0x15: {  	[smem:$0x3FB5] =	sst s0;
	s0 =	simm.s32 @!p2 $0x0  }
0x16: {  	s3 =	sld [smem:$0x3FDB];
	s0 =	simm.s32 @p2 $0x1  }
0x17: {  	s4 =	simm.s32 $0x1BF5;
	[smem:$0x3FB7] =	sst s0  }
0x18: {  	s0 =	sld [smem:$0x3F9A];
	_ =	swait.ge [sflag:s4], $0x0  }
0x19: {  	s7 =	sld [smem:$0x3F9B]  }
0x1a: {  	s8 =	sadd.s32 $0xFFFFE003, lr  }
0x1b: {  	s9 =	sadd.s32 $0xFFFFFEF7, lr;
	s5 =	simm.s32 $0xFFFFFFFF;
	p2 =	slt.u32 s8, $0xFFFFF086  }
0x1c: {  	p1 =	slt.u32 s9, $0xF7A;
	s5 =	simm.s32 @!p2 $0x0  }
0x1d: {  	s5 =	simm.s32 @p1 $0x1;
	p0 =	seq.s32 s7, s2  }
0x1e: {  	s7 =	smul.u32 @!p0 $0xF7A, s2;
	p2 =	seq.s32 @!p0 s5, $0x0  }
0x1f: {  	s9 =	smul.u32 $0xF7A, s1;
	s8 =	simm.s32 @!p0 $0x1BF5;
	p2 =	por !p2, p0  }
0x20: {  	[sflag:s8] =	ssyncset.s32 @!p0 $0xFFFFF086;
	s6 =	sadd.s32 @!p0 s3, s7;
	s7 =	simm.s32 @!p0 $0x108  }
0x21: {  	s3 =	sadd.s32 s3, s9;
	s6 =	sadd.s32 @!p0 $0x88, s6;
	s7 =	simm.s32 @p2 $0x1082  }
0x22: {  	[simem:s7], [sflag:s8] =	dma.local @!p0 [hbm:s6], $0xF7A  }
0x23: {  	s9 =	sor.u32 $0xD0000000, s2;
	s6 =	simm.s32 $0x108;
	_ =	swait.ge @!p0 [sflag:s8], $0x0  }
0x24: {  	s3 =	sadd.s32 $0x88, s3;
	s6 =	simm.s32 @!p1 $0x1082;
	[sflag:s4] =	ssyncset.s32 $0xFFFFF086  }
0x25: {  	[simem:s6], [sflag:s4] =	dma.local [hbm:s3], $0xF7A  }
0x26: {  	[smem:$0x3F9B] =	sst s1;
	(tag) =	ssettag s2;
	_ =	strace s9  }
0x27: {  	s1 =	sld [smem:$0x3FAB]  }
0x28: {  	s2 =	sld [smem:$0x3FAC]  }
0x29: {  	s4 =	sld [smem:$0x3FAE]  }
0x2a: {  	p0 =	seq.s32 s5, $0x0;
	s5 =	sld [smem:$0x3FAF]  }
0x2b: {  	s6 =	sld [smem:$0x3FB0]  }
0x2c: {  	s7 =	sld [smem:$0x3FB1]  }
0x2d: {  	s3 =	simm.s32 $0x108;
	s8 =	sld [smem:$0x3FB2]  }
0x2e: {  	s3 =	simm.s32 @!p0 $0x1082;
	s9 =	sld [smem:$0x3FB3]  }
0x2f: {  	lr =	sadd.s32 s0, s3;
	s0 =	sld [smem:$0x3FAA]  }
0x30: {  	s3 =	sld [smem:$0x3FAD]  }
0x31: {  	[smem:$0x3FB6] =	sst s10  }
0x32: {  	s10 =	sld [smem:$0x3FB4];
	_ =	sdelay $0x3  }
0x33: {  	p0 =	seq.s32 s10, $0x1;
	s10 =	sld [smem:$0x3FB6];
	_ =	sdelay $0x3  }
0x34: {  	[smem:$0x3FB6] =	sst s10  }
0x35: {  	s10 =	sld [smem:$0x3FB5];
	_ =	sdelay $0x3  }
0x36: {  	p1 =	seq.s32 s10, $0x1;
	s10 =	sld [smem:$0x3FB6];
	_ =	sdelay $0x3  }
0x37: {  	[smem:$0x3FB6] =	sst s10  }
0x38: {  	s10 =	sld [smem:$0x3FB7]  }
0x39: {  	_ = 	snop;
	(pc) =	sbr.ind lr, $3  }
0x3a: {  	_ = 	snop  }
0x3b: {  	_ = 	snop  }
0x3c: {  	p2 =	seq.s32 s10, $0x1;
	s10 =	sld [smem:$0x3FB6]  }
0x3d: {  	_ =	shalt  }
0x3e: {  	_ =	shalt  }
0x3f: {  	_ =	shalt  }
0x40: {  	_ =	shalt  }
0x41: {  	_ =	shalt  }
0x42: {  	_ =	shalt  }
0x43: {  	_ =	shalt  }
0x44: {  	_ =	shalt  }
0x45: {  	_ =	shalt  }
0x46: {  	_ =	shalt  }
0x47: {  	_ =	shalt  }
0x48: {  	_ =	shalt  }
0x49: {  	_ =	shalt  }
0x4a: {  	_ =	shalt  }
0x4b: {  	_ =	shalt  }
0x4c: {  	_ =	shalt  }
0x4d: {  	_ =	shalt  }
0x4e: {  	_ =	shalt  }
0x4f: {  	_ =	shalt  }
0x50: {  	_ =	shalt  }
0x51: {  	_ =	shalt  }
0x52: {  	_ =	shalt  }
0x53: {  	_ =	shalt  }
0x54: {  	_ =	shalt  }
0x55: {  	_ =	shalt  }
0x56: {  	_ =	shalt  }
0x57: {  	_ =	shalt  }
0x58: {  	_ =	shalt  }
0x59: {  	_ =	shalt  }
0x5a: {  	_ =	shalt  }
0x5b: {  	_ =	shalt  }
0x5c: {  	_ =	shalt  }
0x5d: {  	_ =	shalt  }
0x5e: {  	_ =	shalt  }
0x5f: {  	_ =	shalt  }
0x60: {  	_ =	shalt  }
0x61: {  	_ =	shalt  }
0x62: {  	_ =	shalt  }
0x63: {  	_ =	shalt  }
0x64: {  	_ =	shalt  }
0x65: {  	_ =	shalt  }
0x66: {  	_ =	shalt  }
0x67: {  	_ =	shalt  }
0x68: {  	_ =	shalt  }
0x69: {  	_ =	shalt  }
0x6a: {  	_ =	shalt  }
0x6b: {  	_ =	shalt  }
0x6c: {  	_ =	shalt  }
0x6d: {  	_ =	shalt  }
0x6e: {  	_ =	shalt  }
0x6f: {  	_ =	shalt  }
0x70: {  	_ =	shalt  }
0x71: {  	_ =	shalt  }
0x72: {  	_ =	shalt  }
0x73: {  	_ =	shalt  }
0x74: {  	_ =	shalt  }
0x75: {  	_ =	shalt  }
0x76: {  	_ =	shalt  }
0x77: {  	_ =	shalt  }
0x78: {  	_ =	shalt  }
0x79: {  	_ =	shalt  }
0x7a: {  	_ =	shalt  }
0x7b: {  	_ =	shalt  }
0x7c: {  	_ =	shalt  }
0x7d: {  	_ =	shalt  }
0x7e: {  	_ =	shalt  }
0x7f: {  	_ =	shalt  }
0x80: {  	_ =	shalt  }
0x81: {  	_ =	shalt  }
0x82: {  	_ =	shalt  }
0x83: {  	_ =	shalt  }
0x84: {  	_ =	shalt  }
0x85: {  	_ =	shalt  }
0x86: {  	_ =	shalt  }
0x87: {  	_ =	shalt  }
.Lfunc_end0:
.L_simem_size_0:
called_computation_lowered:
.L_overlay_start_0:
0x88: {  	s2 =	sld [smem:$0x3FD9]  }
0x89: {  	s3 =	sld [smem:$0x3FFE];
	_ =	sdelay $0x1  }
0x8a: {  	s1 =	srdreg.scid  }
0x8b: {  	s0 =	sand.u32 $0x1, s1  }
0x8c: {  	s17 =	sshll.u32 s0, $0xA;
	s2 =	sadd.s32 s3, s2  }
0x8d: {  	s2 =	sadd.s32 s2, s17  }
0x8e: {  	[smem:$0x3FC2] =	sst s2  }
0x8f: {  	_ = 	snop  }
0x90: {  	s2 =	sld [smem:$0x3FD0];
	(tm) =	ssettm $0x1  }
0x91: {  	s18 =	sld [smem:$0x3FFB];
	_ =	sdelay $0x3  }
0x92: {  	_ =	strace s18  }
0x93: {  	s3 =	sld [smem:$0x3FFC];
	_ =	sdelay $0x3  }
0x94: {  	_ =	strace s3  }
0x95: {  	s3 =	sld [smem:$0x3FFD];
	_ =	sdelay $0x3  }
0x96: {  	_ =	strace s3  }
0x97: {  	_ =	strace $0x8FFFFFFF  }
0x98: {  	s19 =	sld [smem:$0x3FDB];
	_ =	sdelay $0x1  }
0x99: {  	s4 =	simm.s32 $_scs_section_size  }
0x9a: {  	s5 =	simm.s32 $_size__tile_overlayer_lowered;
	s6 =	simm.s32 $_tile_overlayer_lowered  }
0x9b: {  	s22 =	simm.s32 $0x1BFF;
	s21 =	sshll.u32 s6, $0x1;
	s3 =	sadd.s32 s4, s19  }
0x9c: {  	s7 =	simm.s32 $0x0;
	s20 =	sshll.u32 s5, $0x1;
	s5 =	sadd.s32 s21, s3  }
0x9d: {  	[timem:s7], [sflag:s22] =	dma.local [hbm:s5], s20  }
0x9e: {  	_ =	swait.ge [sflag:s22], s20  }
0x9f: {  	s4 =	ssub.s32 $0x0, s20;
	[sflag:s22] =	ssyncset.done $0x0  }
0xa0: {  	[sflag:s22] =	ssyncadd.s32 s4;
	_ =	sdelay $0x1  }
0xa1: {  	s23 =	simm.s32 $0x1B8B  }
0xa2: {  	_ =	swait.ge [sflag:s23], $0x1  }
0xa3: {  	[sflag:s23] =	ssyncset.done $0x0  }
0xa4: {  	s25 =	simm.s32 $0x1B8E;
	s24 =	sld [smem:$0x3FFE];
	[sflag:s23] =	ssyncadd.s32 $0xFFFFFFFF  }
0xa5: {  	s26 =	simm.s32 $execute0_lowered;
	[smem:$0x3FD2] =	sst s25  }
0xa6: {  	s5 =	sshll.u32 s26, $0x1;
	_ =	strace $0x80000046;
	[dreg:$0x1] =	wrdreg $0xFFFFFFFF  }
0xa7: {  	s28 =	simm.s32 $_size_execute0_lowered;
	s3 =	sadd.s32 s3, s5;
	[dreg:$0x0] =	wrdreg $0x0  }
0xa8: {  	s5 =	sshll.u32 s28, $0x1;
	[dreg:$0x2] =	wrdreg s3  }
0xa9: {  	[dreg:$0x3] =	wrdreg s5  }
0xaa: {  	[dreg:$0x4] =	wrdreg $0xC0  }
0xab: {  	_ =	task [dreg:s7], $0x5FFFF  }
0xac: {  	[dreg:$0x1] =	wrdreg $0xFFFFFFFF  }
0xad: {  	[dreg:$0x0] =	wrdreg $0x60  }
0xae: {  	[dreg:$0x2] =	wrdreg s24  }
0xaf: {  	[dreg:$0x3] =	wrdreg s2  }
0xb0: {  	[dreg:$0x4] =	wrdreg $0x50800  }
0xb1: {  	[dreg:$0x5] =	wrdreg $0x53000  }
0xb2: {  	[dreg:$0x6] =	wrdreg $0x9  }
0xb3: {  	_ =	task.clear_ibuf [dreg:s7], $0x7FFFF;
	_ =	strace $0x90000046  }
0xb4: {  	s29 =	simm.s32 $0x9;
	_ =	strace $0x80000048  }
0xb5: {  	_ =	swait.ge [sflag:s29], $0x1  }
0xb6: {  	[sflag:s29] =	ssyncadd.s32 $0xFFFFFFFF  }
0xb7: {  	_ =	strace $0x90000048  }
0xb8: {  	_ =	sfence  }
0xb9: {  	s30 =	sld [smem:$0x0];
	_ =	sdelay $0x2  }
0xba: {  	s31 =	sshll.u32 s1, $0xD;
	s1 =	sshrl.u32 s1, $0x2  }
0xbb: {  	s3 =	sand.u32 $0x4000, s31;
	s1 =	sadd.s32 s1, s30  }
0xbc: {  	s0 =	sor.u32 s3, s0;
	s1 =	sshll.u32 s1, $0x11  }
0xbd: {  	s0 =	sor.u32 s1, s0  }
0xbe: {  	s0 =	sadd.s32 $0x8F2B, s0  }
0xbf: {  	[sflag:s0] =	ssyncadd.remote.s32 $0x1  }
0xc0: {  	_ =	sfence.sel $0xFFFF  }
0xc1: {  	[dreg:$0x0] =	wrdreg $0xFFFFFFFF;
	(pc) =	sbr.abs _section_cstart, $3  }
0xc2: {  	[dreg:$0x1] =	wrdreg $0xFFFFFFFF  }
0xc3: {  	_ =	task.clear_ibuf [dreg:s7], $0x2FFFF;
	_ =	strace $0x9FFFFFFF  }
0xc4: {  	(tm) =	ssettm $0x7FFFFFFF  }
0xc5: {  	_ =	shalt  }
tec
execute0_lowered:
.L_overlay_start_1:
0x0: {  	(tag) =	ssettag $0x1  }
0x1: {  	s5 =	rddreg [dreg:$0x0]  }
0x2: {  	s9 =	rddreg [dreg:$0x1]  }
0x3: {  	s1 =	srdreg.scid;
	s2 =	rddreg [dreg:$0x2]  }
0x4: {  	s0 =	stileid.u32;
	s3 =	rddreg [dreg:$0x3];
	s4 =	simm.s32 $0x0  }
0x5: {  	s17 =	simm.s32 $0x5000;
	s18 =	simm.s32 $0x20;
	s7 =	smul.u32 $0x5000, s0  }
0x6: {  	s19 =	simm.s32 $0x10;
	s20 =	simm.s32 $0x0;
	s25 =	smul.u32 $0x280, s0  }
0x7: {  	s6 =	sand.u32 $0x1, s1;
	s1 =	rddreg [dreg:$0x4];
	s10 =	smul.u32 $0x500, s0  }
0x8: {  	[smem:$0x7FF] =	sst s4;
	s31 =	sshll.u32 s0, $0x6;
	s8 =	smul.u32 $0x2800, s6  }
0x9: {  	_ =	strace $0x80000047;
	s26 =	sshll.u32 s6, $0x7;
	s6 =	ssub.s32 $0x2, s6  }
0xa: {  	s12 =	sshrl.u32 s25, $0x3;
	s30 =	sshrl.u32 s6, $0x1;
	s15 =	sadd.s32 s25, s2  }
0xb: {  	s16 =	sadd.s32 s25, s3;
	s7 =	sadd.s32 s8, s7;
	s28 =	sadd.s32 s12, s5  }
0xc: {  	s14 =	ssub.s32 s6, s30;
	s6 =	sor.u32 $0x1C01, s31;
	s7 =	sshrl.u32 s7, $0x3  }
0xd: {  	s12 =	sshrl.u32 s15, $0x3;
	s11 =	sadd.s32 s7, s5;
	s7 =	sor.u32 s26, s10  }
0xe: {  	s15 =	simm.s32 $0x2800;
	s29 =	sshrl.u32 s7, $0x3;
	s7 =	sadd.s32 $0xBC00, s11  }
0xf: {  	s8 =	sadd.s32 $0x1C00, s11;
	s11 =	smax.u32 s14, $0x1;
	s14 =	sshrl.u32 s16, $0x3  }
0x10: {  	s16 =	simm.s32 $0x80;
	s13 =	sadd.s32 s29, s5;
	s5 =	sadd.s32 $0x15C00, s28  }
0x11: {  	v0 =	vimm.f32 $1.000000000e+00;
	s9 =	sadd.s32 s9, s29;
	s10 =	sadd.s32 $0x16200, s13;
	s13 =	simm.s32 $0x1  }
.LBB2_1:
0x12: {  	[spmem:s12], [sflag:s6] =	dma.local [hbm:s5], $0x50  }
0x13: {  	_ =	swait.ge [sflag:s13], $0x50  }
0x14: {  	[sflag:s13] =	ssyncset.done $0x0  }
0x15: {  	[sflag:s13] =	ssyncadd.s32 $0xFFFFFFB0  }
0x16: {  	[spmem:s14], [sflag:s6] =	dma.local [hbm:s5], $0x50  }
0x17: {  	_ =	swait.ge [sflag:s13], $0x50  }
0x18: {  	[sflag:s13] =	ssyncset.done $0x0  }
0x19: {  	[sflag:s13] =	ssyncadd.s32 $0xFFFFFFB0  }
0x1a: {  	[tilespmem:s4], [sflag:$0x1] =	stream.linear.gather [hbm4b:s7+s4], $0x2800, $0x38;
	[tilespmem:$0x5580] =	vst v63  }
0x1b: {  	_ =	swait.ge [sflag:s13], $0x2800  }
0x1c: {  	[sflag:s13] =	ssyncset.done $0x0  }
0x1d: {  	[sflag:s13] =	ssyncadd.s32 $0xFFFFD800  }
0x1e: {  	[tilespmem:s15], [sflag:$0x1] =	stream.linear.gather [hbm4b:s8+s4], $0x2800, $0x38;
	[tilespmem:$0x5580] =	vst v63  }
0x1f: {  	_ =	swait.ge [sflag:s13], $0x2800  }
0x20: {  	[sflag:s13] =	ssyncset.done $0x0  }
0x21: {  	[sflag:s13] =	ssyncadd.s32 $0xFFFFD800  }
0x22: {  	[tilespmem:$0x5000] =	vst v0  }
0x23: {  	[tilespmem:$0x5010] =	vst v0  }
0x24: {  	[tilespmem:$0x5020] =	vst v0  }
0x25: {  	[tilespmem:$0x5030] =	vst v0  }
0x26: {  	[tilespmem:$0x5040] =	vst v0  }
0x27: {  	[tilespmem:$0x5050] =	vst v0  }
0x28: {  	[tilespmem:$0x5060] =	vst v0  }
0x29: {  	[tilespmem:$0x5070] =	vst v0  }
0x2a: {  	s21 =	simm.s32 $0x0;
	[bflag:$0x0] =	sbarrier.arrive $0xFFFF  }
0x2b: {  	[spmem:s2] =	stream.indirect.scatter.add.f32 [tilespmem:s17], [sflag:$0x1], $0x1, s21, s16, $0xb8;
	[tilespmem:$0x5580] =	vst v63  }
0x2c: {  	_ =	swait.ge [sflag:s13], $0x80  }
0x2d: {  	[sflag:s13] =	ssyncset.done $0x0  }
0x2e: {  	s31 =	simm.s32 $0x2800;
	[sflag:s13] =	ssyncadd.s32 $0xFFFFFF80  }
0x2f: {  	[spmem:s3] =	stream.indirect.scatter.add.f32 [tilespmem:s17], [sflag:$0x1], $0x1, s31, s16, $0xb8;
	[tilespmem:$0x5580] =	vst v63  }
0x30: {  	_ =	swait.ge [sflag:s13], $0x80  }
0x31: {  	s22 =	simm.s32 $0x400;
	s21 =	simm.s32 $0x200;
	[sflag:s13] =	ssyncset.done $0x0  }
.LBB2_2:
0x32: {  	s23 =	sshra.s32 s21, $0x2  }
0x33: {  	[sflag:s13] =	ssyncadd.s32 $0xFFFFFF80;
	s21 =	smov.u32 s22;
	s24 =	sadd.s32 $0x200, s22  }
0x34: {  	[spmem:s2] =	stream.indirect.scatter.add.f32 [tilespmem:s17], [sflag:$0x1], $0x1, s23, s16, $0xb8;
	[tilespmem:$0x5580] =	vst v63  }
0x35: {  	p0 =	sne.s32 s22, $0x9E00;
	_ =	swait.ge [sflag:s13], $0x80  }
.Ltmp0:
0x36: {  	[sflag:s13] =	ssyncset.done $0x0;
	(pc) =	sbr.rel @p0 .LBB2_2-.Ltmp0, $4  }
0x37: {  	s22 =	sadd.s32 $0x2800, s23;
	[sflag:s13] =	ssyncadd.s32 $0xFFFFFF80  }
0x38: {  	[spmem:s3] =	stream.indirect.scatter.add.f32 [tilespmem:s17], [sflag:$0x1], $0x1, s22, s16, $0xb8;
	[tilespmem:$0x5580] =	vst v63  }
0x39: {  	_ =	swait.ge [sflag:s13], $0x80  }
0x3a: {  	s22 =	smov.u32 s24;
	[sflag:s13] =	ssyncset.done $0x0  }
0x3b: {  	s21 =	sshra.s32 s21, $0x2;
	[sflag:s13] =	ssyncadd.s32 $0xFFFFFF80  }
0x3c: {  	[spmem:s2] =	stream.indirect.scatter.add.f32 [tilespmem:s17], [sflag:$0x1], $0x1, s21, s16, $0xb8;
	[tilespmem:$0x5580] =	vst v63  }
0x3d: {  	_ =	swait.ge [sflag:s13], $0x80  }
0x3e: {  	[sflag:s13] =	ssyncset.done $0x0  }
0x3f: {  	s21 =	sadd.s32 $0x2800, s21;
	[sflag:s13] =	ssyncadd.s32 $0xFFFFFF80  }
0x40: {  	[spmem:s3] =	stream.indirect.scatter.add.f32 [tilespmem:s17], [sflag:$0x1], $0x1, s21, s16, $0xb8;
	[tilespmem:$0x5580] =	vst v63  }
0x41: {  	_ =	swait.ge [sflag:s13], $0x80  }
0x42: {  	[sflag:s13] =	ssyncset.done $0x0  }
0x43: {  	[sflag:s13] =	ssyncadd.s32 $0xFFFFFF80  }
0x44: {  	[bflag:$0x0] =	sbarrier.arrive $0xFFFF  }
0x45: {  	[hbm:s9@s18], [sflag:s6] =	dma.strided [spmem:s12@s19], $0x50, s13, $0x10   }
0x46: {  	s20 =	sadd.s32 $0x1, s20;
	_ =	swait.ge [sflag:s13], $0x50  }
0x47: {  	p0 =	sne.s32 s20, s11;
	[sflag:s13] =	ssyncset.done $0x0  }
.Ltmp1:
0x48: {  	[sflag:s13] =	ssyncadd.s32 $0xFFFFFFB0;
	(pc) =	sbr.rel @p0 .LBB2_1-.Ltmp1, $4  }
0x49: {  	[hbm:s10@s18], [sflag:s6] =	dma.strided [spmem:s14@s19], $0x50, s13, $0x10   }
0x4a: {  	_ =	swait.ge [sflag:s13], $0x50  }
0x4b: {  	[sflag:s13] =	ssyncset.done $0x0  }
0x4c: {  	[sflag:s13] =	ssyncadd.s32 $0xFFFFFFB0  }
0x4d: {  	_ =	sfence.sel $0x180000  }
0x4e: {  	[bflag:$0x0] =	sbarrier.arrive $0xFFFF  }
0x4f: {  	p0 =	sne.s32 s0, $0x0;
	_ =	strace $0x90000047  }
0x50: {  	s0 =	sadd.s32 @!p0 $0x100000, s1;
	[bflag:$0x2] =	sbarrier.arrive $0xFFFF  }
0x51: {  	[sflag:s0] =	ssyncadd.tile.s32 @!p0 $0x1;
	_ =	shalt  }
.Lfunc_end2:
_tile_overlayer_lowered:
.L_overlay_start_2:
0x52: {  	(tag) =	ssettag $0x2  }
0x53: {  	s0 =	rddreg [dreg:$0x0];
	s2 =	stileid.u32  }
0x54: {  	s1 =	rddreg [dreg:$0x1];
	p0 =	sne.s32 s2, $0x0  }
0x55: {  	s3 =	rddreg [dreg:$0x2];
	[bflag:$0x3] =	sbarrier.arrive $0xFFFF;
	s2 =	simm.s32 @!p0 $0x1C01  }
0x56: {  	[timem:s3], [sflag:s2] =	dma.local @!p0 [hbm:s0], s1  }
0x57: {  	s0 =	simm.s32 @!p0 $0x1  }
0x58: {  	_ =	swait.ge @!p0 [sflag:s0], s1  }
0x59: {  	s1 =	ssub.s32 @!p0 $0x0, s1;
	[sflag:s0] =	ssyncset.done @!p0 $0x0  }
0x5a: {  	[sflag:s0] =	ssyncadd.s32 @!p0 s1  }
0x5b: {  	[bflag:$0x3] =	sbarrier.arrive $0xFFFF  }
0x5c: {  	_ =	shalt  }

// kernel: kernel.9.cloned.1.call-start
scs
__scs_entry_jumppad:
0x0: {  	(pc) =	sbr.rel $0x88, $3  }
0x1: {  	(tag) =	ssettag $0x0;
	lr =	simm.s32 $0x1  }
0x2: {  	[smem:$0x3F9B] =	sst lr;
	_ =	strace $0xD0000000  }
0x3: {  	_ = 	snop  }
0x4: {  	_ = 	snop  }
0x5: {  	_ = 	snop  }
0x6: {  	_ = 	snop  }
0x7: {  	_ = 	snop  }
__scs_overlays_trampoline_lowered:
0x8: {  	[smem:$0x3FAA] =	sst s0  }
0x9: {  	[smem:$0x3FAB] =	sst s1  }
0xa: {  	[smem:$0x3FAC] =	sst s2  }
0xb: {  	[smem:$0x3FAD] =	sst s3  }
0xc: {  	[smem:$0x3FAE] =	sst s4  }
0xd: {  	[smem:$0x3FAF] =	sst s5  }
0xe: {  	[smem:$0x3FB0] =	sst s6  }
0xf: {  	[smem:$0x3FB1] =	sst s7  }
0x10: {  	[smem:$0x3FB2] =	sst s8  }
0x11: {  	[smem:$0x3FB3] =	sst s9;
	s0 =	simm.s32 @!p0 $0x0  }
0x12: {  	s1 =	sld [smem:$0x3F99];
	s0 =	simm.s32 @p0 $0x1  }
0x13: {  	[smem:$0x3FB4] =	sst s0;
	s0 =	simm.s32 @!p1 $0x0  }
0x14: {  	s2 =	sld [smem:$0x3F98];
	s0 =	simm.s32 @p1 $0x1  }
0x15: {  	[smem:$0x3FB5] =	sst s0;
	s0 =	simm.s32 @!p2 $0x0  }
0x16: {  	s3 =	sld [smem:$0x3FDB];
	s0 =	simm.s32 @p2 $0x1  }
0x17: {  	s4 =	simm.s32 $0x1BF5;
	[smem:$0x3FB7] =	sst s0  }
0x18: {  	s0 =	sld [smem:$0x3F9A];
	_ =	swait.ge [sflag:s4], $0x0  }
0x19: {  	s7 =	sld [smem:$0x3F9B]  }
0x1a: {  	s8 =	sadd.s32 $0xFFFFE003, lr  }
0x1b: {  	s9 =	sadd.s32 $0xFFFFFEF7, lr;
	s5 =	simm.s32 $0xFFFFFFFF;
	p2 =	slt.u32 s8, $0xFFFFF086  }
0x1c: {  	p1 =	slt.u32 s9, $0xF7A;
	s5 =	simm.s32 @!p2 $0x0  }
0x1d: {  	s5 =	simm.s32 @p1 $0x1;
	p0 =	seq.s32 s7, s2  }
0x1e: {  	s7 =	smul.u32 @!p0 $0xF7A, s2;
	p2 =	seq.s32 @!p0 s5, $0x0  }
0x1f: {  	s9 =	smul.u32 $0xF7A, s1;
	s8 =	simm.s32 @!p0 $0x1BF5;
	p2 =	por !p2, p0  }
0x20: {  	[sflag:s8] =	ssyncset.s32 @!p0 $0xFFFFF086;
	s6 =	sadd.s32 @!p0 s3, s7;
	s7 =	simm.s32 @!p0 $0x108  }
0x21: {  	s3 =	sadd.s32 s3, s9;
	s6 =	sadd.s32 @!p0 $0x88, s6;
	s7 =	simm.s32 @p2 $0x1082  }
0x22: {  	[simem:s7], [sflag:s8] =	dma.local @!p0 [hbm:s6], $0xF7A  }
0x23: {  	s9 =	sor.u32 $0xD0000000, s2;
	s6 =	simm.s32 $0x108;
	_ =	swait.ge @!p0 [sflag:s8], $0x0  }
0x24: {  	s3 =	sadd.s32 $0x88, s3;
	s6 =	simm.s32 @!p1 $0x1082;
	[sflag:s4] =	ssyncset.s32 $0xFFFFF086  }
0x25: {  	[simem:s6], [sflag:s4] =	dma.local [hbm:s3], $0xF7A  }
0x26: {  	[smem:$0x3F9B] =	sst s1;
	(tag) =	ssettag s2;
	_ =	strace s9  }
0x27: {  	s1 =	sld [smem:$0x3FAB]  }
0x28: {  	s2 =	sld [smem:$0x3FAC]  }
0x29: {  	s4 =	sld [smem:$0x3FAE]  }
0x2a: {  	p0 =	seq.s32 s5, $0x0;
	s5 =	sld [smem:$0x3FAF]  }
0x2b: {  	s6 =	sld [smem:$0x3FB0]  }
0x2c: {  	s7 =	sld [smem:$0x3FB1]  }
0x2d: {  	s3 =	simm.s32 $0x108;
	s8 =	sld [smem:$0x3FB2]  }
0x2e: {  	s3 =	simm.s32 @!p0 $0x1082;
	s9 =	sld [smem:$0x3FB3]  }
0x2f: {  	lr =	sadd.s32 s0, s3;
	s0 =	sld [smem:$0x3FAA]  }
0x30: {  	s3 =	sld [smem:$0x3FAD]  }
0x31: {  	[smem:$0x3FB6] =	sst s10  }
0x32: {  	s10 =	sld [smem:$0x3FB4];
	_ =	sdelay $0x3  }
0x33: {  	p0 =	seq.s32 s10, $0x1;
	s10 =	sld [smem:$0x3FB6];
	_ =	sdelay $0x3  }
0x34: {  	[smem:$0x3FB6] =	sst s10  }
0x35: {  	s10 =	sld [smem:$0x3FB5];
	_ =	sdelay $0x3  }
0x36: {  	p1 =	seq.s32 s10, $0x1;
	s10 =	sld [smem:$0x3FB6];
	_ =	sdelay $0x3  }
0x37: {  	[smem:$0x3FB6] =	sst s10  }
0x38: {  	s10 =	sld [smem:$0x3FB7]  }
0x39: {  	_ = 	snop;
	(pc) =	sbr.ind lr, $3  }
0x3a: {  	_ = 	snop  }
0x3b: {  	_ = 	snop  }
0x3c: {  	p2 =	seq.s32 s10, $0x1;
	s10 =	sld [smem:$0x3FB6]  }
0x3d: {  	_ =	shalt  }
0x3e: {  	_ =	shalt  }
0x3f: {  	_ =	shalt  }
0x40: {  	_ =	shalt  }
0x41: {  	_ =	shalt  }
0x42: {  	_ =	shalt  }
0x43: {  	_ =	shalt  }
0x44: {  	_ =	shalt  }
0x45: {  	_ =	shalt  }
0x46: {  	_ =	shalt  }
0x47: {  	_ =	shalt  }
0x48: {  	_ =	shalt  }
0x49: {  	_ =	shalt  }
0x4a: {  	_ =	shalt  }
0x4b: {  	_ =	shalt  }
0x4c: {  	_ =	shalt  }
0x4d: {  	_ =	shalt  }
0x4e: {  	_ =	shalt  }
0x4f: {  	_ =	shalt  }
0x50: {  	_ =	shalt  }
0x51: {  	_ =	shalt  }
0x52: {  	_ =	shalt  }
0x53: {  	_ =	shalt  }
0x54: {  	_ =	shalt  }
0x55: {  	_ =	shalt  }
0x56: {  	_ =	shalt  }
0x57: {  	_ =	shalt  }
0x58: {  	_ =	shalt  }
0x59: {  	_ =	shalt  }
0x5a: {  	_ =	shalt  }
0x5b: {  	_ =	shalt  }
0x5c: {  	_ =	shalt  }
0x5d: {  	_ =	shalt  }
0x5e: {  	_ =	shalt  }
0x5f: {  	_ =	shalt  }
0x60: {  	_ =	shalt  }
0x61: {  	_ =	shalt  }
0x62: {  	_ =	shalt  }
0x63: {  	_ =	shalt  }
0x64: {  	_ =	shalt  }
0x65: {  	_ =	shalt  }
0x66: {  	_ =	shalt  }
0x67: {  	_ =	shalt  }
0x68: {  	_ =	shalt  }
0x69: {  	_ =	shalt  }
0x6a: {  	_ =	shalt  }
0x6b: {  	_ =	shalt  }
0x6c: {  	_ =	shalt  }
0x6d: {  	_ =	shalt  }
0x6e: {  	_ =	shalt  }
0x6f: {  	_ =	shalt  }
0x70: {  	_ =	shalt  }
0x71: {  	_ =	shalt  }
0x72: {  	_ =	shalt  }
0x73: {  	_ =	shalt  }
0x74: {  	_ =	shalt  }
0x75: {  	_ =	shalt  }
0x76: {  	_ =	shalt  }
0x77: {  	_ =	shalt  }
0x78: {  	_ =	shalt  }
0x79: {  	_ =	shalt  }
0x7a: {  	_ =	shalt  }
0x7b: {  	_ =	shalt  }
0x7c: {  	_ =	shalt  }
0x7d: {  	_ =	shalt  }
0x7e: {  	_ =	shalt  }
0x7f: {  	_ =	shalt  }
0x80: {  	_ =	shalt  }
0x81: {  	_ =	shalt  }
0x82: {  	_ =	shalt  }
0x83: {  	_ =	shalt  }
0x84: {  	_ =	shalt  }
0x85: {  	_ =	shalt  }
0x86: {  	_ =	shalt  }
0x87: {  	_ =	shalt  }
.Lfunc_end0:
.L_simem_size_0:
called_computation.1_lowered:
.L_overlay_start_0:
0x88: {  	s2 =	sld [smem:$0x3FD9]  }
0x89: {  	s3 =	sld [smem:$0x3FFE];
	_ =	sdelay $0x1  }
0x8a: {  	s1 =	srdreg.scid  }
0x8b: {  	s0 =	sand.u32 $0x1, s1  }
0x8c: {  	s16 =	sshll.u32 s0, $0xA;
	s2 =	sadd.s32 s3, s2  }
0x8d: {  	s2 =	sadd.s32 s2, s16  }
0x8e: {  	[smem:$0x3FC2] =	sst s2  }
0x8f: {  	_ = 	snop  }
0x90: {  	(tm) =	ssettm $0x1  }
0x91: {  	s17 =	sld [smem:$0x3FFB];
	_ =	sdelay $0x3  }
0x92: {  	_ =	strace s17  }
0x93: {  	s2 =	sld [smem:$0x3FFC];
	_ =	sdelay $0x3  }
0x94: {  	_ =	strace s2  }
0x95: {  	s2 =	sld [smem:$0x3FFD];
	_ =	sdelay $0x3  }
0x96: {  	_ =	strace s2  }
0x97: {  	_ =	strace $0x8FFFFFFF  }
0x98: {  	s18 =	sld [smem:$0x3FDB];
	_ =	sdelay $0x1  }
0x99: {  	s19 =	simm.s32 $_scs_section_size  }
0x9a: {  	s4 =	simm.s32 $_size__tile_overlayer_lowered;
	s5 =	simm.s32 $_tile_overlayer_lowered  }
0x9b: {  	s22 =	simm.s32 $0x1BFF;
	s21 =	sshll.u32 s5, $0x1;
	s2 =	sadd.s32 s19, s18  }
0x9c: {  	s6 =	simm.s32 $0x0;
	s20 =	sshll.u32 s4, $0x1;
	s4 =	sadd.s32 s21, s2  }
0x9d: {  	[timem:s6], [sflag:s22] =	dma.local [hbm:s4], s20  }
0x9e: {  	_ =	swait.ge [sflag:s22], s20  }
0x9f: {  	s3 =	ssub.s32 $0x0, s20;
	[sflag:s22] =	ssyncset.done $0x0  }
0xa0: {  	[sflag:s22] =	ssyncadd.s32 s3;
	_ =	sdelay $0x1  }
0xa1: {  	s23 =	simm.s32 $0x1B8B  }
0xa2: {  	_ =	swait.ge [sflag:s23], $0x1  }
0xa3: {  	[sflag:s23] =	ssyncset.done $0x0  }
0xa4: {  	s25 =	simm.s32 $0x1B8E;
	s24 =	sld [smem:$0x3FFE];
	[sflag:s23] =	ssyncadd.s32 $0xFFFFFFFF  }
0xa5: {  	s26 =	simm.s32 $execute0_lowered;
	[smem:$0x3FD2] =	sst s25  }
0xa6: {  	s4 =	sshll.u32 s26, $0x1;
	_ =	strace $0x80000049;
	[dreg:$0x1] =	wrdreg $0xFFFFFFFF  }
0xa7: {  	s28 =	simm.s32 $_size_execute0_lowered;
	s2 =	sadd.s32 s2, s4;
	[dreg:$0x0] =	wrdreg $0x0  }
0xa8: {  	s4 =	sshll.u32 s28, $0x1;
	[dreg:$0x2] =	wrdreg s2  }
0xa9: {  	[dreg:$0x3] =	wrdreg s4  }
0xaa: {  	[dreg:$0x4] =	wrdreg $0xC0  }
0xab: {  	_ =	task [dreg:s6], $0x5FFFF  }
0xac: {  	[dreg:$0x1] =	wrdreg $0xFFFFFFFF  }
0xad: {  	[dreg:$0x0] =	wrdreg $0x60  }
0xae: {  	[dreg:$0x2] =	wrdreg s24  }
0xaf: {  	[dreg:$0x3] =	wrdreg $0xA8000  }
0xb0: {  	[dreg:$0x4] =	wrdreg $0x9  }
0xb1: {  	_ =	task.clear_ibuf [dreg:s6], $0x5FFFF;
	_ =	strace $0x90000049  }
0xb2: {  	s29 =	simm.s32 $0x9;
	_ =	strace $0x8000004B  }
0xb3: {  	_ =	swait.ge [sflag:s29], $0x1  }
0xb4: {  	[sflag:s29] =	ssyncadd.s32 $0xFFFFFFFF  }
0xb5: {  	_ =	strace $0x9000004B  }
0xb6: {  	_ =	sfence  }
0xb7: {  	s30 =	sld [smem:$0x0];
	_ =	sdelay $0x2  }
0xb8: {  	s31 =	sshll.u32 s1, $0xD;
	s1 =	sshrl.u32 s1, $0x2  }
0xb9: {  	s3 =	sand.u32 $0x4000, s31;
	s1 =	sadd.s32 s1, s30  }
0xba: {  	s0 =	sor.u32 s3, s0;
	s1 =	sshll.u32 s1, $0x11  }
0xbb: {  	s0 =	sor.u32 s1, s0  }
0xbc: {  	s0 =	sadd.s32 $0x8F2B, s0  }
0xbd: {  	[sflag:s0] =	ssyncadd.remote.s32 $0x1  }
0xbe: {  	_ =	sfence.sel $0xFFFF  }
0xbf: {  	[dreg:$0x0] =	wrdreg $0xFFFFFFFF;
	(pc) =	sbr.abs _section_cstart, $3  }
0xc0: {  	[dreg:$0x1] =	wrdreg $0xFFFFFFFF  }
0xc1: {  	_ =	task.clear_ibuf [dreg:s6], $0x2FFFF;
	_ =	strace $0x9FFFFFFF  }
0xc2: {  	(tm) =	ssettm $0x7FFFFFFF  }
0xc3: {  	_ =	shalt  }
tec
execute0_lowered:
.L_overlay_start_1:
0x0: {  	(tag) =	ssettag $0x1  }
0x1: {  	s5 =	rddreg [dreg:$0x0]  }
0x2: {  	s2 =	rddreg [dreg:$0x1]  }
0x3: {  	s0 =	rddreg [dreg:$0x2]  }
0x4: {  	s3 =	simm.s32 $0x0;
	s1 =	stileid.u32;
	s4 =	srdreg.scid  }
0x5: {  	s16 =	simm.s32 $0x80;
	s17 =	simm.s32 $0x2800;
	s18 =	simm.s32 $0x6800  }
0x6: {  	s19 =	simm.s32 $0x1;
	s20 =	simm.s32 $0x2;
	s21 =	simm.s32 $0x1380  }
0x7: {  	s22 =	simm.s32 $0x2700;
	s23 =	simm.s32 $0x2780;
	s24 =	simm.s32 $0x0  }
0x8: {  	[smem:$0x7FF] =	sst s3;
	s6 =	smul.u32 $0x14000, s1;
	s7 =	sand.u32 $0x1, s4  }
0x9: {  	s9 =	sadd.s32 $0xBC00, s5;
	s10 =	sadd.s32 $0x1C00, s5;
	s11 =	smul.u32 $0x50000, s1  }
0xa: {  	s4 =	sadd.s32 $0x3CE00, s5;
	s25 =	smul.u32 $0x5000, s1;
	s30 =	sshll.u32 s1, $0x6  }
0xb: {  	_ =	strace $0x8000004A;
	s8 =	smul.u32 $0x140000, s7;
	s13 =	ssub.s32 $0x2, s7  }
0xc: {  	s7 =	smul.u32 $0x2800, s7;
	s12 =	sshrl.u32 s6, $0x3;
	s26 =	sshrl.u32 s13, $0x1  }
0xd: {  	s28 =	sshrl.u32 s11, $0x2;
	s6 =	sadd.s32 s6, s8;
	s12 =	sadd.s32 s12, s5  }
0xe: {  	s13 =	ssub.s32 s13, s26;
	s29 =	sadd.s32 s7, s25;
	s6 =	sshrl.u32 s6, $0x3  }
0xf: {  	s15 =	sadd.s32 s28, s2;
	s8 =	sshrl.u32 s29, $0x3;
	s14 =	sadd.s32 s6, s5  }
0x10: {  	s5 =	sadd.s32 $0x64E00, s12;
	s6 =	sor.u32 $0x1C03, s30;
	s31 =	sadd.s32 $0x280, s8  }
0x11: {  	s7 =	sadd.s32 s9, s8;
	s8 =	sadd.s32 s10, s8;
	s12 =	smax.u32 s13, $0x1  }
0x12: {  	s13 =	sshrl.u32 s15, $0x3;
	s15 =	simm.s32 $0x1400;
	s9 =	sadd.s32 s9, s31  }
0x13: {  	s10 =	sadd.s32 s10, s31;
	s11 =	sadd.s32 $0x8CE00, s14;
	s14 =	simm.s32 $0x3  }
.LBB2_1:
0x14: {  	[spmem:s13], [sflag:s6] =	dma.local [hbm:s5], $0x2800  }
0x15: {  	_ =	swait.ge [sflag:s14], $0x2800  }
0x16: {  	[sflag:s14] =	ssyncset.done $0x0  }
0x17: {  	[sflag:s14] =	ssyncadd.s32 $0xFFFFD800  }
0x18: {  	[bflag:$0x0] =	sbarrier.arrive $0xFFFF  }
0x19: {  	[tilespmem:s3], [sflag:$0x3] =	stream.linear.gather [hbm4b:s7+s3], $0x1400, $0x38;
	[tilespmem:$0x1E800] =	vst v63  }
0x1a: {  	_ =	swait.ge [sflag:s14], $0x1400  }
0x1b: {  	[sflag:s14] =	ssyncset.done $0x0  }
0x1c: {  	[sflag:s14] =	ssyncadd.s32 $0xFFFFEC00  }
0x1d: {  	[tilespmem:s15], [sflag:$0x3] =	stream.linear.gather [hbm4b:s8+s3], $0x1400, $0x38;
	[tilespmem:$0x1E800] =	vst v63  }
0x1e: {  	_ =	swait.ge [sflag:s14], $0x1400  }
0x1f: {  	[sflag:s14] =	ssyncset.done $0x0  }
0x20: {  	[sflag:s14] =	ssyncadd.s32 $0xFFFFEC00  }
0x21: {  	[tilespmem:s17], [sflag:$0x1] =	stream.indirect.gather [hbm4b:s4+s16], $0x80, s3, s16, $0xb8;
	[tilespmem:$0x1E800] =	vst v63  }
0x22: {  	s25 =	simm.s32 $0x80  }
0x23: {  	[tilespmem:s18], [sflag:$0x2] =	stream.indirect.gather [hbm4b:s4+s16], $0x80, s25, s16, $0xb8;
	[tilespmem:$0x1E800] =	vst v63  }
0x24: {  	_ =	swait.ge [sflag:s19], $0x4000  }
0x25: {  	[sflag:s19] =	ssyncset.done $0x0  }
0x26: {  	s29 =	simm.s32 $0x1400;
	[sflag:s19] =	ssyncadd.s32 $0xFFFFC000  }
0x27: {  	[spmem:s2] =	stream.indirect.scatter.add.f32 [tilespmem:s17], [sflag:$0x3], $0x80, s29, s16, $0xb8;
	[tilespmem:$0x1E800] =	vst v63  }
0x28: {  	_ =	swait.ge [sflag:s14], $0x4000  }
0x29: {  	[sflag:s14] =	ssyncset.done $0x0  }
0x2a: {  	s30 =	simm.s32 $0x100;
	[sflag:s14] =	ssyncadd.s32 $0xFFFFC000  }
0x2b: {  	[tilespmem:s17], [sflag:$0x1] =	stream.indirect.gather [hbm4b:s4+s16], $0x80, s30, s16, $0xb8;
	[tilespmem:$0x1E800] =	vst v63  }
0x2c: {  	_ =	swait.ge [sflag:s20], $0x4000  }
0x2d: {  	[sflag:s20] =	ssyncset.done $0x0  }
0x2e: {  	s31 =	simm.s32 $0x1480;
	[sflag:s20] =	ssyncadd.s32 $0xFFFFC000  }
0x2f: {  	[spmem:s2] =	stream.indirect.scatter.add.f32 [tilespmem:s18], [sflag:$0x3], $0x80, s31, s16, $0xb8;
	[tilespmem:$0x1E800] =	vst v63  }
0x30: {  	_ =	swait.ge [sflag:s14], $0x4000  }
0x31: {  	s26 =	simm.s32 $0x800;
	s25 =	simm.s32 $0x100;
	[sflag:s14] =	ssyncset.done $0x0  }
.LBB2_2:
0x32: {  	s28 =	sadd.s32 $0x80, s25  }
0x33: {  	[sflag:s14] =	ssyncadd.s32 $0xFFFFC000;
	s29 =	smov.u32 s26;
	s30 =	sadd.s32 $0x400, s26  }
0x34: {  	[tilespmem:s18], [sflag:$0x2] =	stream.indirect.gather [hbm4b:s4+s16], $0x80, s28, s16, $0xb8;
	[tilespmem:$0x1E800] =	vst v63  }
0x35: {  	p0 =	sne.s32 s26, $0x4800;
	_ =	swait.ge [sflag:s19], $0x4000  }
0x36: {  	[sflag:s19] =	ssyncset.done $0x0  }
0x37: {  	s26 =	sadd.s32 $0x1400, s25;
	[sflag:s19] =	ssyncadd.s32 $0xFFFFC000  }
0x38: {  	[spmem:s2] =	stream.indirect.scatter.add.f32 [tilespmem:s17], [sflag:$0x3], $0x80, s26, s16, $0xb8;
	[tilespmem:$0x1E800] =	vst v63  }
0x39: {  	_ =	swait.ge [sflag:s14], $0x4000  }
0x3a: {  	[sflag:s14] =	ssyncset.done $0x0  }
0x3b: {  	s26 =	sadd.s32 $0x100, s25;
	[sflag:s14] =	ssyncadd.s32 $0xFFFFC000  }
0x3c: {  	[tilespmem:s17], [sflag:$0x1] =	stream.indirect.gather [hbm4b:s4+s16], $0x80, s26, s16, $0xb8;
	[tilespmem:$0x1E800] =	vst v63  }
0x3d: {  	_ =	swait.ge [sflag:s20], $0x4000  }
.Ltmp0:
0x3e: {  	[sflag:s20] =	ssyncset.done $0x0;
	(pc) =	sbr.rel @p0 .LBB2_2-.Ltmp0, $4  }
0x3f: {  	s25 =	sadd.s32 $0x1480, s25;
	[sflag:s20] =	ssyncadd.s32 $0xFFFFC000  }
0x40: {  	[spmem:s2] =	stream.indirect.scatter.add.f32 [tilespmem:s18], [sflag:$0x3], $0x80, s25, s16, $0xb8;
	[tilespmem:$0x1E800] =	vst v63  }
0x41: {  	_ =	swait.ge [sflag:s14], $0x4000  }
0x42: {  	s26 =	smov.u32 s30;
	s25 =	sshra.s32 s29, $0x2;
	[sflag:s14] =	ssyncset.done $0x0  }
0x43: {  	s26 =	sadd.s32 $0x80, s25;
	[sflag:s14] =	ssyncadd.s32 $0xFFFFC000  }
0x44: {  	[tilespmem:s18], [sflag:$0x2] =	stream.indirect.gather [hbm4b:s4+s16], $0x80, s26, s16, $0xb8;
	[tilespmem:$0x1E800] =	vst v63  }
0x45: {  	_ =	swait.ge [sflag:s19], $0x4000  }
0x46: {  	[sflag:s19] =	ssyncset.done $0x0  }
0x47: {  	s29 =	sadd.s32 $0x1400, s25;
	[sflag:s19] =	ssyncadd.s32 $0xFFFFC000  }
0x48: {  	[spmem:s2] =	stream.indirect.scatter.add.f32 [tilespmem:s17], [sflag:$0x3], $0x80, s29, s16, $0xb8;
	[tilespmem:$0x1E800] =	vst v63  }
0x49: {  	_ =	swait.ge [sflag:s14], $0x4000  }
0x4a: {  	[sflag:s14] =	ssyncset.done $0x0  }
0x4b: {  	s30 =	sadd.s32 $0x100, s25;
	[sflag:s14] =	ssyncadd.s32 $0xFFFFC000  }
0x4c: {  	[tilespmem:s17], [sflag:$0x1] =	stream.indirect.gather [hbm4b:s4+s16], $0x80, s30, s16, $0xb8;
	[tilespmem:$0x1E800] =	vst v63  }
0x4d: {  	_ =	swait.ge [sflag:s20], $0x4000  }
0x4e: {  	[sflag:s20] =	ssyncset.done $0x0  }
0x4f: {  	s31 =	sadd.s32 $0x1480, s25;
	[sflag:s20] =	ssyncadd.s32 $0xFFFFC000  }
0x50: {  	[spmem:s2] =	stream.indirect.scatter.add.f32 [tilespmem:s18], [sflag:$0x3], $0x80, s31, s16, $0xb8;
	[tilespmem:$0x1E800] =	vst v63  }
0x51: {  	_ =	swait.ge [sflag:s14], $0x4000  }
0x52: {  	[sflag:s14] =	ssyncset.done $0x0  }
0x53: {  	[sflag:s14] =	ssyncadd.s32 $0xFFFFC000  }
0x54: {  	[tilespmem:s18], [sflag:$0x2] =	stream.indirect.gather [hbm4b:s4+s16], $0x80, s21, s16, $0xb8;
	[tilespmem:$0x1E800] =	vst v63  }
0x55: {  	_ =	swait.ge [sflag:s19], $0x4000  }
0x56: {  	[sflag:s19] =	ssyncset.done $0x0  }
0x57: {  	[sflag:s19] =	ssyncadd.s32 $0xFFFFC000  }
0x58: {  	[spmem:s2] =	stream.indirect.scatter.add.f32 [tilespmem:s17], [sflag:$0x3], $0x80, s22, s16, $0xb8;
	[tilespmem:$0x1E800] =	vst v63  }
0x59: {  	_ =	swait.ge [sflag:s14], $0x4000  }
0x5a: {  	[sflag:s14] =	ssyncset.done $0x0  }
0x5b: {  	[sflag:s14] =	ssyncadd.s32 $0xFFFFC000  }
0x5c: {  	_ =	swait.ge [sflag:s20], $0x4000  }
0x5d: {  	[sflag:s20] =	ssyncset.done $0x0  }
0x5e: {  	[sflag:s20] =	ssyncadd.s32 $0xFFFFC000  }
0x5f: {  	[spmem:s2] =	stream.indirect.scatter.add.f32 [tilespmem:s18], [sflag:$0x3], $0x80, s23, s16, $0xb8;
	[tilespmem:$0x1E800] =	vst v63  }
0x60: {  	_ =	swait.ge [sflag:s14], $0x4000  }
0x61: {  	[sflag:s14] =	ssyncset.done $0x0  }
0x62: {  	s26 =	simm.s32 $0x0;
	[sflag:s14] =	ssyncadd.s32 $0xFFFFC000  }
0x63: {  	[tilespmem:s26], [sflag:$0x3] =	stream.linear.gather [hbm4b:s9+s26], $0x1400, $0x38;
	[tilespmem:$0x1E800] =	vst v63  }
0x64: {  	_ =	swait.ge [sflag:s14], $0x1400  }
0x65: {  	[sflag:s14] =	ssyncset.done $0x0  }
0x66: {  	[sflag:s14] =	ssyncadd.s32 $0xFFFFEC00  }
0x67: {  	[tilespmem:s15], [sflag:$0x3] =	stream.linear.gather [hbm4b:s10+s26], $0x1400, $0x38;
	[tilespmem:$0x1E800] =	vst v63  }
0x68: {  	_ =	swait.ge [sflag:s14], $0x1400  }
0x69: {  	[sflag:s14] =	ssyncset.done $0x0  }
0x6a: {  	[sflag:s14] =	ssyncadd.s32 $0xFFFFEC00  }
0x6b: {  	[tilespmem:s17], [sflag:$0x1] =	stream.indirect.gather [hbm4b:s4+s16], $0x80, s26, s16, $0xb8;
	[tilespmem:$0x1E800] =	vst v63  }
0x6c: {  	s28 =	simm.s32 $0x80  }
0x6d: {  	[tilespmem:s18], [sflag:$0x2] =	stream.indirect.gather [hbm4b:s4+s16], $0x80, s28, s16, $0xb8;
	[tilespmem:$0x1E800] =	vst v63  }
0x6e: {  	_ =	swait.ge [sflag:s19], $0x4000  }
0x6f: {  	[sflag:s19] =	ssyncset.done $0x0  }
0x70: {  	s29 =	simm.s32 $0x1400;
	[sflag:s19] =	ssyncadd.s32 $0xFFFFC000  }
0x71: {  	[spmem:s2] =	stream.indirect.scatter.add.f32 [tilespmem:s17], [sflag:$0x3], $0x80, s29, s16, $0xb8;
	[tilespmem:$0x1E800] =	vst v63  }
0x72: {  	_ =	swait.ge [sflag:s14], $0x4000  }
0x73: {  	[sflag:s14] =	ssyncset.done $0x0  }
0x74: {  	s30 =	simm.s32 $0x100;
	[sflag:s14] =	ssyncadd.s32 $0xFFFFC000  }
0x75: {  	[tilespmem:s17], [sflag:$0x1] =	stream.indirect.gather [hbm4b:s4+s16], $0x80, s30, s16, $0xb8;
	[tilespmem:$0x1E800] =	vst v63  }
0x76: {  	_ =	swait.ge [sflag:s20], $0x4000  }
0x77: {  	[sflag:s20] =	ssyncset.done $0x0  }
0x78: {  	s31 =	simm.s32 $0x1480;
	[sflag:s20] =	ssyncadd.s32 $0xFFFFC000  }
0x79: {  	[spmem:s2] =	stream.indirect.scatter.add.f32 [tilespmem:s18], [sflag:$0x3], $0x80, s31, s16, $0xb8;
	[tilespmem:$0x1E800] =	vst v63  }
0x7a: {  	_ =	swait.ge [sflag:s14], $0x4000  }
0x7b: {  	s25 =	simm.s32 $0x100;
	s26 =	simm.s32 $0x800;
	[sflag:s14] =	ssyncset.done $0x0  }
.LBB2_4:
0x7c: {  	s28 =	sadd.s32 $0x80, s25  }
0x7d: {  	[sflag:s14] =	ssyncadd.s32 $0xFFFFC000;
	s29 =	smov.u32 s26;
	s30 =	sadd.s32 $0x400, s26  }
0x7e: {  	[tilespmem:s18], [sflag:$0x2] =	stream.indirect.gather [hbm4b:s4+s16], $0x80, s28, s16, $0xb8;
	[tilespmem:$0x1E800] =	vst v63  }
0x7f: {  	p0 =	sne.s32 s26, $0x4800;
	_ =	swait.ge [sflag:s19], $0x4000  }
0x80: {  	[sflag:s19] =	ssyncset.done $0x0  }
0x81: {  	s26 =	sadd.s32 $0x1400, s25;
	[sflag:s19] =	ssyncadd.s32 $0xFFFFC000  }
0x82: {  	[spmem:s2] =	stream.indirect.scatter.add.f32 [tilespmem:s17], [sflag:$0x3], $0x80, s26, s16, $0xb8;
	[tilespmem:$0x1E800] =	vst v63  }
0x83: {  	_ =	swait.ge [sflag:s14], $0x4000  }
0x84: {  	[sflag:s14] =	ssyncset.done $0x0  }
0x85: {  	s26 =	sadd.s32 $0x100, s25;
	[sflag:s14] =	ssyncadd.s32 $0xFFFFC000  }
0x86: {  	[tilespmem:s17], [sflag:$0x1] =	stream.indirect.gather [hbm4b:s4+s16], $0x80, s26, s16, $0xb8;
	[tilespmem:$0x1E800] =	vst v63  }
0x87: {  	_ =	swait.ge [sflag:s20], $0x4000  }
.Ltmp1:
0x88: {  	[sflag:s20] =	ssyncset.done $0x0;
	(pc) =	sbr.rel @p0 .LBB2_4-.Ltmp1, $4  }
0x89: {  	s25 =	sadd.s32 $0x1480, s25;
	[sflag:s20] =	ssyncadd.s32 $0xFFFFC000  }
0x8a: {  	[spmem:s2] =	stream.indirect.scatter.add.f32 [tilespmem:s18], [sflag:$0x3], $0x80, s25, s16, $0xb8;
	[tilespmem:$0x1E800] =	vst v63  }
0x8b: {  	_ =	swait.ge [sflag:s14], $0x4000  }
0x8c: {  	s26 =	smov.u32 s30;
	s25 =	sshra.s32 s29, $0x2;
	[sflag:s14] =	ssyncset.done $0x0  }
0x8d: {  	s26 =	sadd.s32 $0x80, s25;
	[sflag:s14] =	ssyncadd.s32 $0xFFFFC000  }
0x8e: {  	[tilespmem:s18], [sflag:$0x2] =	stream.indirect.gather [hbm4b:s4+s16], $0x80, s26, s16, $0xb8;
	[tilespmem:$0x1E800] =	vst v63  }
0x8f: {  	_ =	swait.ge [sflag:s19], $0x4000  }
0x90: {  	[sflag:s19] =	ssyncset.done $0x0  }
0x91: {  	s29 =	sadd.s32 $0x1400, s25;
	[sflag:s19] =	ssyncadd.s32 $0xFFFFC000  }
0x92: {  	[spmem:s2] =	stream.indirect.scatter.add.f32 [tilespmem:s17], [sflag:$0x3], $0x80, s29, s16, $0xb8;
	[tilespmem:$0x1E800] =	vst v63  }
0x93: {  	_ =	swait.ge [sflag:s14], $0x4000  }
0x94: {  	[sflag:s14] =	ssyncset.done $0x0  }
0x95: {  	s30 =	sadd.s32 $0x100, s25;
	[sflag:s14] =	ssyncadd.s32 $0xFFFFC000  }
0x96: {  	[tilespmem:s17], [sflag:$0x1] =	stream.indirect.gather [hbm4b:s4+s16], $0x80, s30, s16, $0xb8;
	[tilespmem:$0x1E800] =	vst v63  }
0x97: {  	_ =	swait.ge [sflag:s20], $0x4000  }
0x98: {  	[sflag:s20] =	ssyncset.done $0x0  }
0x99: {  	s31 =	sadd.s32 $0x1480, s25;
	[sflag:s20] =	ssyncadd.s32 $0xFFFFC000  }
0x9a: {  	[spmem:s2] =	stream.indirect.scatter.add.f32 [tilespmem:s18], [sflag:$0x3], $0x80, s31, s16, $0xb8;
	[tilespmem:$0x1E800] =	vst v63  }
0x9b: {  	_ =	swait.ge [sflag:s14], $0x4000  }
0x9c: {  	[sflag:s14] =	ssyncset.done $0x0  }
0x9d: {  	[sflag:s14] =	ssyncadd.s32 $0xFFFFC000  }
0x9e: {  	[tilespmem:s18], [sflag:$0x2] =	stream.indirect.gather [hbm4b:s4+s16], $0x80, s21, s16, $0xb8;
	[tilespmem:$0x1E800] =	vst v63  }
0x9f: {  	_ =	swait.ge [sflag:s19], $0x4000  }
0xa0: {  	[sflag:s19] =	ssyncset.done $0x0  }
0xa1: {  	[sflag:s19] =	ssyncadd.s32 $0xFFFFC000  }
0xa2: {  	[spmem:s2] =	stream.indirect.scatter.add.f32 [tilespmem:s17], [sflag:$0x3], $0x80, s22, s16, $0xb8;
	[tilespmem:$0x1E800] =	vst v63  }
0xa3: {  	_ =	swait.ge [sflag:s14], $0x4000  }
0xa4: {  	[sflag:s14] =	ssyncset.done $0x0  }
0xa5: {  	[sflag:s14] =	ssyncadd.s32 $0xFFFFC000  }
0xa6: {  	_ =	swait.ge [sflag:s20], $0x4000  }
0xa7: {  	[sflag:s20] =	ssyncset.done $0x0  }
0xa8: {  	[sflag:s20] =	ssyncadd.s32 $0xFFFFC000  }
0xa9: {  	[spmem:s2] =	stream.indirect.scatter.add.f32 [tilespmem:s18], [sflag:$0x3], $0x80, s23, s16, $0xb8;
	[tilespmem:$0x1E800] =	vst v63  }
0xaa: {  	_ =	swait.ge [sflag:s14], $0x4000  }
0xab: {  	s24 =	sadd.s32 $0x1, s24;
	[sflag:s14] =	ssyncset.done $0x0  }
0xac: {  	p0 =	sne.s32 s24, s12;
	[sflag:s14] =	ssyncadd.s32 $0xFFFFC000  }
.Ltmp2:
0xad: {  	[bflag:$0x0] =	sbarrier.arrive $0xFFFF;
	(pc) =	sbr.rel @p0 .LBB2_1-.Ltmp2, $4  }
0xae: {  	[hbm:s11], [sflag:s6] =	dma.local [spmem:s13], $0x2800  }
0xaf: {  	_ =	swait.ge [sflag:s14], $0x2800  }
0xb0: {  	[sflag:s14] =	ssyncset.done $0x0  }
0xb1: {  	[sflag:s14] =	ssyncadd.s32 $0xFFFFD800  }
0xb2: {  	_ =	sfence.sel $0x180000  }
0xb3: {  	[bflag:$0x0] =	sbarrier.arrive $0xFFFF  }
0xb4: {  	p0 =	sne.s32 s1, $0x0;
	_ =	strace $0x9000004A  }
0xb5: {  	s0 =	sadd.s32 @!p0 $0x100000, s0;
	[bflag:$0x2] =	sbarrier.arrive $0xFFFF  }
0xb6: {  	[sflag:s0] =	ssyncadd.tile.s32 @!p0 $0x1;
	_ =	shalt  }
.Lfunc_end2:
_tile_overlayer_lowered:
.L_overlay_start_2:
0xb7: {  	(tag) =	ssettag $0x2  }
0xb8: {  	s0 =	rddreg [dreg:$0x0];
	s2 =	stileid.u32  }
0xb9: {  	s1 =	rddreg [dreg:$0x1];
	p0 =	sne.s32 s2, $0x0  }
0xba: {  	s3 =	rddreg [dreg:$0x2];
	[bflag:$0x3] =	sbarrier.arrive $0xFFFF;
	s2 =	simm.s32 @!p0 $0x1C03  }
0xbb: {  	[timem:s3], [sflag:s2] =	dma.local @!p0 [hbm:s0], s1  }
0xbc: {  	s0 =	simm.s32 @!p0 $0x3  }
0xbd: {  	_ =	swait.ge @!p0 [sflag:s0], s1  }
0xbe: {  	s1 =	ssub.s32 @!p0 $0x0, s1;
	[sflag:s0] =	ssyncset.done @!p0 $0x0  }
0xbf: {  	[sflag:s0] =	ssyncadd.s32 @!p0 s1  }
0xc0: {  	[bflag:$0x3] =	sbarrier.arrive $0xFFFF  }
0xc1: {  	_ =	shalt  }

</sc_bundles>
